<compile_context>
chip_gen: v7x
topology: tpu7x:2x2x1
jax: 0.10.2.dev20260603
libtpu: 0.0.44.dev20260713+nightly
codegen_flags: <defaults>
</compile_context>

<pallas_src>
import jax
import jax.numpy as jnp
from jax import lax
from jax.experimental import pallas as pl
from jax.experimental.pallas import tpu as pltpu
from jax.experimental.pallas import tpu_sc as plsc

N = 10000
E = 320000
B = 1024
D = 128
DT = 768

NC = 2
NS = 16
CH = 100
NB = 8
EPW = E // NS
RPT = EPW // CH
NBATCH = RPT // NB
NPAD = 10240
ROWS_PW = NPAD // NS
DEGW = 128

MBLK = N // 5


def _mesh():
    return plsc.VectorSubcoreMesh(core_axis_name="c", subcore_axis_name="s")


def _agg_body(g0, g1, e0r, e1r, zeros, out0, out1, acc,
              gb, sb, buf0, buf1, sg0, sg1, ss0, ss1):
    c = lax.axis_index("c")
    s = lax.axis_index("s")
    r0 = s * ROWS_PW
    pltpu.sync_copy(zeros.at[pl.ds(r0, ROWS_PW)], acc.at[pl.ds(r0, ROWS_PW)])
    plsc.subcore_barrier()

    def run_dir(g_ref, eg_ref, es_ref):
        row0 = s * RPT

        def batch(b, carry):
            r = pl.multiple_of(row0 + b * NB, 8)
            pltpu.sync_copy(eg_ref.at[pl.ds(r, NB)], gb)
            pltpu.sync_copy(es_ref.at[pl.ds(r, NB)], sb)

            bufs = (buf0, buf1)
            sgs = (sg0, sg1)
            sss = (ss0, ss1)
            pltpu.async_copy(g_ref.at[gb.at[0]], buf0, sg0)
            for j in range(NB):
                bj, sgj, ssj = bufs[j % 2], sgs[j % 2], sss[j % 2]
                pltpu.make_async_copy(g_ref.at[gb.at[j]], bj, sgj).wait()
                pltpu.async_copy(bj, acc.at[sb.at[j]], ssj, add=True)
                if j + 1 < NB:
                    if j >= 1:
                        pltpu.make_async_copy(
                            bufs[(j + 1) % 2], acc.at[sb.at[j - 1]],
                            sss[(j + 1) % 2]).wait()
                    pltpu.async_copy(g_ref.at[gb.at[j + 1]],
                                     bufs[(j + 1) % 2], sgs[(j + 1) % 2])
            pltpu.make_async_copy(buf0, acc.at[sb.at[NB - 2]], ss0).wait()
            pltpu.make_async_copy(buf1, acc.at[sb.at[NB - 1]], ss1).wait()
            return carry

        lax.fori_loop(0, NBATCH, batch, 0)

    @pl.when(c == 0)
    def _():
        run_dir(g0, e0r, e1r)

    @pl.when(c == 1)
    def _():
        run_dir(g1, e1r, e0r)

    plsc.subcore_barrier()

    @pl.when(c == 0)
    def _():
        pltpu.sync_copy(acc.at[pl.ds(r0, ROWS_PW)], out0.at[pl.ds(r0, ROWS_PW)])

    @pl.when(c == 1)
    def _():
        pltpu.sync_copy(acc.at[pl.ds(r0, ROWS_PW)], out1.at[pl.ds(r0, ROWS_PW)])


@jax.jit
def _agg(g0, g1, e0r, e1r, zeros):
    return pl.kernel(
        _agg_body,
        out_type=(
            jax.ShapeDtypeStruct((NPAD, D), jnp.float32),
            jax.ShapeDtypeStruct((NPAD, D), jnp.float32),
        ),
        mesh=_mesh(),
        scratch_types=[
            pltpu.VMEM_SHARED((NPAD, D), jnp.float32),
            pltpu.VMEM((NB, CH), jnp.int32),
            pltpu.VMEM((NB, CH), jnp.int32),
            pltpu.VMEM((CH, D), jnp.float32),
            pltpu.VMEM((CH, D), jnp.float32),
            pltpu.SemaphoreType.DMA,
            pltpu.SemaphoreType.DMA,
            pltpu.SemaphoreType.DMA,
            pltpu.SemaphoreType.DMA,
        ],
    )(g0, g1, e0r, e1r, zeros)


def _deg_body(e0r, e1r, zerosd, onesd, out0, out1, acc, sb, ones_v, sd):
    c = lax.axis_index("c")
    s = lax.axis_index("s")
    r0 = s * ROWS_PW
    pltpu.sync_copy(zerosd.at[pl.ds(r0, ROWS_PW)], acc.at[pl.ds(r0, ROWS_PW)])
    pltpu.sync_copy(onesd, ones_v)
    plsc.subcore_barrier()

    def run_dir(es_ref):
        row0 = s * RPT

        def batch(b, carry):
            r = pl.multiple_of(row0 + b * NB, 8)
            pltpu.sync_copy(es_ref.at[pl.ds(r, NB)], sb)
            for j in range(NB):
                pltpu.async_copy(ones_v, acc.at[sb.at[j]], sd, add=True)
            for j in range(NB):
                pltpu.make_async_copy(ones_v, acc.at[sb.at[j]], sd).wait()
            return carry

        lax.fori_loop(0, NBATCH, batch, 0)

    @pl.when(c == 0)
    def _():
        run_dir(e1r)

    @pl.when(c == 1)
    def _():
        run_dir(e0r)

    plsc.subcore_barrier()

    @pl.when(c == 0)
    def _():
        pltpu.sync_copy(acc.at[pl.ds(r0, ROWS_PW)], out0.at[pl.ds(r0, ROWS_PW)])

    @pl.when(c == 1)
    def _():
        pltpu.sync_copy(acc.at[pl.ds(r0, ROWS_PW)], out1.at[pl.ds(r0, ROWS_PW)])


@jax.jit
def _deg(e0r, e1r, zerosd, onesd):
    return pl.kernel(
        _deg_body,
        out_type=(
            jax.ShapeDtypeStruct((NPAD, DEGW), jnp.float32),
            jax.ShapeDtypeStruct((NPAD, DEGW), jnp.float32),
        ),
        mesh=_mesh(),
        scratch_types=[
            pltpu.VMEM_SHARED((NPAD, DEGW), jnp.float32),
            pltpu.VMEM((NB, CH), jnp.int32),
            pltpu.VMEM((CH, DEGW), jnp.float32),
            pltpu.SemaphoreType.DMA,
        ],
    )(e0r, e1r, zerosd, onesd)


BPW = B // (NC * NS)


def _gather_body(table, idx, out, idx_v, rows_v, sem):
    wid = lax.axis_index("s") * NC + lax.axis_index("c")
    base = wid * BPW
    pltpu.sync_copy(idx.at[pl.ds(base, BPW)], idx_v)
    pltpu.async_copy(table.at[idx_v], rows_v, sem).wait()
    pltpu.sync_copy(rows_v, out.at[pl.ds(base, BPW)])


@jax.jit
def _gather(table, idx):
    return pl.kernel(
        _gather_body,
        out_type=jax.ShapeDtypeStruct((B, D), jnp.float32),
        mesh=_mesh(),
        scratch_types=[
            pltpu.VMEM((BPW,), jnp.int32),
            pltpu.VMEM((BPW, D), jnp.float32),
            pltpu.SemaphoreType.DMA,
        ],
    )(table, idx)


def _prologue_body(t_ref, wt_ref, bt_ref, d_ref, wd_ref, bd_ref, o_ref):
    acc = jnp.dot(t_ref[...], wt_ref[...], preferred_element_type=jnp.float32)
    acc += jnp.dot(d_ref[...], wd_ref[...], preferred_element_type=jnp.float32)
    o_ref[...] = acc + bt_ref[...] + bd_ref[...]


@jax.jit
def _prologue(text_emb, WtT, bt, dw_emb, WdT, bd):
    return pl.pallas_call(
        _prologue_body,
        grid=(5,),
        in_specs=[
            pl.BlockSpec((MBLK, DT), lambda i: (i, 0)),
            pl.BlockSpec((DT, D), lambda i: (0, 0)),
            pl.BlockSpec((1, D), lambda i: (0, 0)),
            pl.BlockSpec((MBLK, D), lambda i: (i, 0)),
            pl.BlockSpec((D, D), lambda i: (0, 0)),
            pl.BlockSpec((1, D), lambda i: (0, 0)),
        ],
        out_specs=pl.BlockSpec((MBLK, D), lambda i: (i, 0)),
        out_shape=jax.ShapeDtypeStruct((N, D), jnp.float32),
    )(text_emb, WtT, bt, dw_emb, WdT, bd)


def _ln(x, g, b):
    mu = jnp.mean(x, axis=-1, keepdims=True)
    var = jnp.mean((x - mu) ** 2, axis=-1, keepdims=True)
    return (x - mu) / jnp.sqrt(var + 1e-5) * g + b


def _lnmm_body(f_ref, g0s, g0b, g1s, g1b, ws0, wn0, ws1, wn1,
               z0_ref, q0_ref, z1_ref, q1_ref):
    f = f_ref[...]
    hn0 = _ln(f, g0s[...], g0b[...])
    hn1 = _ln(f, g1s[...], g1b[...])
    z0_ref[...] = jnp.dot(hn0, ws0[...], preferred_element_type=jnp.float32)
    q0_ref[...] = jnp.dot(hn0, wn0[...], preferred_element_type=jnp.float32)
    z1_ref[...] = jnp.dot(hn1, ws1[...], preferred_element_type=jnp.float32)
    q1_ref[...] = jnp.dot(hn1, wn1[...], preferred_element_type=jnp.float32)


@jax.jit
def _lnmm(feats, g0s, g0b, g1s, g1b, ws0, wn0, ws1, wn1):
    vec = pl.BlockSpec((1, D), lambda i: (0, 0))
    mat = pl.BlockSpec((D, D), lambda i: (0, 0))
    blk = pl.BlockSpec((MBLK, D), lambda i: (i, 0))
    return pl.pallas_call(
        _lnmm_body,
        grid=(5,),
        in_specs=[blk, vec, vec, vec, vec, mat, mat, mat, mat],
        out_specs=[blk, blk, blk, blk],
        out_shape=[jax.ShapeDtypeStruct((N, D), jnp.float32)] * 4,
    )(feats, g0s, g0b, g1s, g1b, ws0, wn0, ws1, wn1)



def _pro_lnmm_body(t_ref, wt_ref, bt_ref, d_ref, wd_ref, bd_ref,
                   g0s, g0b, g1s, g1b, ws0, wn0, ws1, wn1,
                   f_ref, z0_ref, q0_ref, z1_ref, q1_ref):
    f = jnp.dot(t_ref[...], wt_ref[...], preferred_element_type=jnp.float32)
    f += jnp.dot(d_ref[...], wd_ref[...], preferred_element_type=jnp.float32)
    f += bt_ref[...] + bd_ref[...]
    f_ref[...] = f
    hn0 = _ln(f, g0s[...], g0b[...])
    hn1 = _ln(f, g1s[...], g1b[...])
    z0_ref[...] = jnp.dot(hn0, ws0[...], preferred_element_type=jnp.float32)
    q0_ref[...] = jnp.dot(hn0, wn0[...], preferred_element_type=jnp.float32)
    z1_ref[...] = jnp.dot(hn1, ws1[...], preferred_element_type=jnp.float32)
    q1_ref[...] = jnp.dot(hn1, wn1[...], preferred_element_type=jnp.float32)


@jax.jit
def _pro_lnmm(text_emb, WtT, bt, dw_emb, WdT, bd,
              g0s, g0b, g1s, g1b, ws0, wn0, ws1, wn1):
    vec = pl.BlockSpec((1, D), lambda i: (0, 0))
    mat = pl.BlockSpec((D, D), lambda i: (0, 0))
    blk = pl.BlockSpec((MBLK, D), lambda i: (i, 0))
    return pl.pallas_call(
        _pro_lnmm_body,
        grid=(5,),
        in_specs=[
            pl.BlockSpec((MBLK, DT), lambda i: (i, 0)),
            pl.BlockSpec((DT, D), lambda i: (0, 0)),
            vec, blk, mat, vec,
            vec, vec, vec, vec, mat, mat, mat, mat,
        ],
        out_specs=[blk, blk, blk, blk, blk],
        out_shape=[jax.ShapeDtypeStruct((N, D), jnp.float32)] * 5,
    )(text_emb, WtT, bt, dw_emb, WdT, bd,
      g0s, g0b, g1s, g1b, ws0, wn0, ws1, wn1)


def _comb_lnmm_body(f_ref, z0_ref, s0_ref, d0_ref, z1_ref, s1_ref, d1_ref,
                    b0_ref, b1_ref, g0s, g0b, g1s, g1b, ws0, wn0, ws1, wn1,
                    o_ref, z0o_ref, q0o_ref, z1o_ref, q1o_ref):
    d0 = jnp.maximum(d0_ref[...][:, 0:1], 1.0)
    d1 = jnp.maximum(d1_ref[...][:, 0:1], 1.0)
    y0 = jax.nn.relu(z0_ref[...] + s0_ref[...] / d0 + b0_ref[...])
    y1 = jax.nn.relu(z1_ref[...] + s1_ref[...] / d1 + b1_ref[...])
    f = f_ref[...] + y0 + y1
    o_ref[...] = f
    hn0 = _ln(f, g0s[...], g0b[...])
    hn1 = _ln(f, g1s[...], g1b[...])
    z0o_ref[...] = jnp.dot(hn0, ws0[...], preferred_element_type=jnp.float32)
    q0o_ref[...] = jnp.dot(hn0, wn0[...], preferred_element_type=jnp.float32)
    z1o_ref[...] = jnp.dot(hn1, ws1[...], preferred_element_type=jnp.float32)
    q1o_ref[...] = jnp.dot(hn1, wn1[...], preferred_element_type=jnp.float32)


@jax.jit
def _comb_lnmm(feats, z0, s0, d0, z1, s1, d1, b0, b1,
               g0s, g0b, g1s, g1b, ws0, wn0, ws1, wn1):
    vec = pl.BlockSpec((1, D), lambda i: (0, 0))
    mat = pl.BlockSpec((D, D), lambda i: (0, 0))
    blk = pl.BlockSpec((MBLK, D), lambda i: (i, 0))
    dblk = pl.BlockSpec((MBLK, DEGW), lambda i: (i, 0))
    return pl.pallas_call(
        _comb_lnmm_body,
        grid=(5,),
        in_specs=[blk, blk, blk, dblk, blk, blk, dblk, vec, vec,
                  vec, vec, vec, vec, mat, mat, mat, mat],
        out_specs=[blk, blk, blk, blk, blk],
        out_shape=[jax.ShapeDtypeStruct((N, D), jnp.float32)] * 5,
    )(feats, z0, s0, d0, z1, s1, d1, b0, b1,
      g0s, g0b, g1s, g1b, ws0, wn0, ws1, wn1)


def _combine_body(f_ref, z0_ref, s0_ref, d0_ref, z1_ref, s1_ref, d1_ref,
                  b0_ref, b1_ref, o_ref):
    d0 = jnp.maximum(d0_ref[...][:, 0:1], 1.0)
    d1 = jnp.maximum(d1_ref[...][:, 0:1], 1.0)
    y0 = jax.nn.relu(z0_ref[...] + s0_ref[...] / d0 + b0_ref[...])
    y1 = jax.nn.relu(z1_ref[...] + s1_ref[...] / d1 + b1_ref[...])
    o_ref[...] = f_ref[...] + y0 + y1


@jax.jit
def _combine(feats, z0, s0, d0, z1, s1, d1, b0, b1):
    blk = pl.BlockSpec((MBLK, D), lambda i: (i, 0))
    dblk = pl.BlockSpec((MBLK, DEGW), lambda i: (i, 0))
    vec = pl.BlockSpec((1, D), lambda i: (0, 0))
    return pl.pallas_call(
        _combine_body,
        grid=(5,),
        in_specs=[blk, blk, blk, dblk, blk, blk, dblk, vec, vec],
        out_specs=blk,
        out_shape=jax.ShapeDtypeStruct((N, D), jnp.float32),
    )(feats, z0, s0, d0, z1, s1, d1, b0, b1)


def _norm_body(x_ref, o_ref):
    x = x_ref[...]
    o_ref[...] = x * lax.rsqrt(jnp.sum(x * x, axis=-1, keepdims=True))


@jax.jit
def _normalize(rows):
    return pl.pallas_call(
        _norm_body,
        out_shape=jax.ShapeDtypeStruct((B, D), jnp.float32),
    )(rows)


def kernel(ids, edge_index, nid, text_emb, deepwalk_emb, W_text, b_text,
           W_dw, b_dw, ln_scale, ln_bias, W_self, W_neigh, b_conv):
    e0r = edge_index[0].reshape(E // CH, CH)
    e1r = edge_index[1].reshape(E // CH, CH)
    zeros = jnp.zeros((NPAD, D), jnp.float32)
    zerosd = jnp.zeros((NPAD, DEGW), jnp.float32)
    onesd = jnp.ones((CH, DEGW), jnp.float32)

    def lnp(l):
        return (ln_scale[l, 0].reshape(1, D), ln_bias[l, 0].reshape(1, D),
                ln_scale[l, 1].reshape(1, D), ln_bias[l, 1].reshape(1, D),
                W_self[l, 0].T, W_neigh[l, 0].T,
                W_self[l, 1].T, W_neigh[l, 1].T)

    d0, d1 = _deg(e0r, e1r, zerosd, onesd)
    feats, z0, g0, z1, g1 = _pro_lnmm(
        text_emb, W_text.T, b_text.reshape(1, D),
        deepwalk_emb, W_dw.T, b_dw.reshape(1, D), *lnp(0))
    s0, s1 = _agg(g0, g1, e0r, e1r, zeros)
    feats, z0, g0, z1, g1 = _comb_lnmm(
        feats, z0, s0, d0, z1, s1, d1,
        b_conv[0, 0].reshape(1, D), b_conv[0, 1].reshape(1, D), *lnp(1))
    s0, s1 = _agg(g0, g1, e0r, e1r, zeros)
    feats = _combine(feats, z0, s0, d0, z1, s1, d1,
                     b_conv[1, 0].reshape(1, D), b_conv[1, 1].reshape(1, D))
    rows = _gather(feats, ids)
    return _normalize(rows)

# --- scband reference (transcript-rebuilt; emitter-appended) ---
"""Pipeline reference for scband-gnnmodel-31138512896531 (READ-ONLY COPY).

The authoritative reference and input builder live on the scoring server;
editing this copy changes nothing except your own understanding.
"""

import jax, jax.numpy as jnp
import numpy as np

N = 10000
E = 320000
B = 1024
D = 128
DT = 768
DWD = 128
L = 2


def setup_inputs(seed: int = 0):
    key = jax.random.key(seed)
    ks = jax.random.split(key, 8)
    return {
        "ids": jax.random.randint(ks[0], (B,), 0, N, dtype=jnp.int32),
        "edge_index": jax.random.randint(ks[1], (2, E), 0, N, dtype=jnp.int32),
        "nid": jnp.arange(N, dtype=jnp.int32),
        "text_emb": jax.random.normal(ks[2], (N, DT), dtype=jnp.float32),
        "deepwalk_emb": jax.random.normal(ks[3], (N, DWD), dtype=jnp.float32),
        "W_text": jax.random.normal(ks[4], (D, DT), dtype=jnp.float32) * 0.02,
        "b_text": jnp.zeros((D,), dtype=jnp.float32),
        "W_dw": jax.random.normal(ks[5], (D, DWD), dtype=jnp.float32) * 0.02,
        "b_dw": jnp.zeros((D,), dtype=jnp.float32),
        "ln_scale": jnp.ones((L, 2, D), dtype=jnp.float32),
        "ln_bias": jnp.zeros((L, 2, D), dtype=jnp.float32),
        "W_self": jax.random.normal(ks[6], (L, 2, D, D), dtype=jnp.float32) * 0.05,
        "W_neigh": jax.random.normal(ks[7], (L, 2, D, D), dtype=jnp.float32) * 0.05,
        "b_conv": jnp.zeros((L, 2, D), dtype=jnp.float32),
    }


def _layernorm(x, g, b):
    mu = jnp.mean(x, axis=-1, keepdims=True)
    var = jnp.mean((x - mu) ** 2, axis=-1, keepdims=True)
    return (x - mu) / jnp.sqrt(var + 1e-5) * g + b


def _sage_mean(h, src, dst, Ws, Wn, bc, n):
    msg = h[src]
    s = jax.ops.segment_sum(msg, dst, num_segments=n)
    deg = jax.ops.segment_sum(jnp.ones((src.shape[0],), dtype=h.dtype), dst, num_segments=n)
    h_neigh = s / jnp.maximum(deg, 1.0)[:, None]
    return h @ Ws.T + h_neigh @ Wn.T + bc


def _forward(ids, edge_index, nid, text_emb, deepwalk_emb, W_text, b_text, W_dw, b_dw, ln_scale, ln_bias, W_self, W_neigh, b_conv):
    src = edge_index[0]
    dst = edge_index[1]
    feats = text_emb[nid] @ W_text.T + b_text + deepwalk_emb[nid] @ W_dw.T + b_dw
    n = feats.shape[0]
    for l in range(L):
        hn = _layernorm(feats, ln_scale[l, 0], ln_bias[l, 0])
        y = jax.nn.relu(_sage_mean(hn, src, dst, W_self[l, 0], W_neigh[l, 0], b_conv[l, 0], n))
        hn_rev = _layernorm(feats, ln_scale[l, 1], ln_bias[l, 1])
        y = y + jax.nn.relu(_sage_mean(hn_rev, dst, src, W_self[l, 1], W_neigh[l, 1], b_conv[l, 1], n))
        feats = feats + y
    matches = nid[None, :] == ids[:, None]
    idx = jnp.argmax(matches, axis=1)
    out = feats[idx]
    out = out / jnp.linalg.norm(out, axis=1, keepdims=True)
    return out


def reference(ids, edge_index, nid, text_emb, deepwalk_emb, W_text, b_text, W_dw, b_dw, ln_scale, ln_bias, W_self, W_neigh, b_conv):
    return _forward(ids, edge_index, nid, text_emb, deepwalk_emb, W_text, b_text, W_dw, b_dw, ln_scale, ln_bias, W_self, W_neigh, b_conv)

if __name__ == "__main__":
    import jax
    _d = setup_inputs()
    print(jax.jit(kernel)(*tuple(_d.values())))

</pallas_src>

<mosaic_0001>
#map = affine_map<(d0, d1) -> (0, 0)>
module attributes {stable_mosaic.version = 14 : i64} {
  func.func @_deg_body(%arg0: i32, %arg1: i32, %arg2: memref<3200x100xi32, #tpu.memory_space<hbm>>, %arg3: memref<3200x100xi32, #tpu.memory_space<hbm>>, %arg4: memref<10240x128xf32, #tpu.memory_space<hbm>>, %arg5: memref<100x128xf32, #tpu.memory_space<hbm>>, %arg6: memref<10240x128xf32, #tpu.memory_space<hbm>>, %arg7: memref<10240x128xf32, #tpu.memory_space<hbm>>, %arg8: memref<10240x128xf32, #tpu.memory_space<vmem_shared>>, %arg9: memref<8x100xi32, #tpu.memory_space<vmem>>, %arg10: memref<100x128xf32, #tpu.memory_space<vmem>>, %arg11: memref<!tpu.dma_semaphore, #tpu.memory_space<semaphore_mem>>) attributes {dimension_semantics = [#tpu.dimension_semantics<core_parallel>, #tpu.dimension_semantics<subcore_parallel>], iteration_bounds = array<i64: 2, 16>, scalar_prefetch = 0 : i64, scratch_operands = 4 : i64, tpu.core_type = #tpu.core_type<sc_vector_subcore>, window_params = [{transform_indices = #map}, {transform_indices = #map}, {transform_indices = #map}, {transform_indices = #map}, {transform_indices = #map}, {transform_indices = #map}]} {
    %mul3A = arith.constant 640 : i32
    %mul3A_0 = arith.muli %arg1, %mul3A : i32
    "tpu.region"() ({
      %run_scoped3A = tpu.sem_alloc : memref<!tpu.dma_semaphore, #tpu.memory_space<semaphore_mem>>
      %dma_start3A = arith.constant 0 : i32
      %dma_start3A_19 = tpu.memref_slice %arg8[%mul3A_0, %dma_start3A] : memref<10240x128xf32, #tpu.memory_space<vmem_shared>> -> memref<640x128xf32, #tpu.memory_space<vmem_shared>>
      %dma_start3A_20 = arith.constant 0 : i32
      %dma_start3A_21 = tpu.memref_slice %arg4[%mul3A_0, %dma_start3A_20] : memref<10240x128xf32, #tpu.memory_space<hbm>> -> memref<640x128xf32, #tpu.memory_space<hbm>>
      tpu.enqueue_dma source(%dma_start3A_21 : memref<640x128xf32, #tpu.memory_space<hbm>>) target(%dma_start3A_19 : memref<640x128xf32, #tpu.memory_space<vmem_shared>>) target_semaphore(%run_scoped3A : memref<!tpu.dma_semaphore, #tpu.memory_space<semaphore_mem>>)
      %dma_wait3A = arith.constant 0 : i32
      %dma_wait3A_22 = tpu.memref_slice %arg8[%mul3A_0, %dma_wait3A] : memref<10240x128xf32, #tpu.memory_space<vmem_shared>> -> memref<640x128xf32, #tpu.memory_space<vmem_shared>>
      %dma_wait3A_23 = arith.constant 0 : i32
      %dma_wait3A_24 = tpu.memref_slice %arg4[%mul3A_0, %dma_wait3A_23] : memref<10240x128xf32, #tpu.memory_space<hbm>> -> memref<640x128xf32, #tpu.memory_space<hbm>>
      tpu.wait_dma2 semaphore(%run_scoped3A : memref<!tpu.dma_semaphore, #tpu.memory_space<semaphore_mem>>) src(%dma_wait3A_24 : memref<640x128xf32, #tpu.memory_space<hbm>>) dst(%dma_wait3A_22 : memref<640x128xf32, #tpu.memory_space<vmem_shared>>)
      tpu.yield
    }) : () -> ()
    "tpu.region"() ({
      %run_scoped3A = tpu.sem_alloc : memref<!tpu.dma_semaphore, #tpu.memory_space<semaphore_mem>>
      tpu.enqueue_dma source(%arg5 : memref<100x128xf32, #tpu.memory_space<hbm>>) target(%arg10 : memref<100x128xf32, #tpu.memory_space<vmem>>) target_semaphore(%run_scoped3A : memref<!tpu.dma_semaphore, #tpu.memory_space<semaphore_mem>>)
      tpu.wait_dma2 semaphore(%run_scoped3A : memref<!tpu.dma_semaphore, #tpu.memory_space<semaphore_mem>>) src(%arg5 : memref<100x128xf32, #tpu.memory_space<hbm>>) dst(%arg10 : memref<100x128xf32, #tpu.memory_space<vmem>>)
      tpu.yield
    }) : () -> ()
    %barrier3A = arith.constant 0 : index
    tpu.barrier barrier_id(%barrier3A)
    %eq3A = arith.constant 0 : i32
    %eq3A_1 = arith.cmpi eq, %arg0, %eq3A : i32
    %convert_element_type3A = arith.extui %eq3A_1 : i1 to i32
    %cond3A = arith.constant 0 : i32
    %cond3A_2 = arith.cmpi ne, %convert_element_type3A, %cond3A : i32
    scf.if %cond3A_2 {
      %mul3A_19 = arith.constant 200 : i32
      %mul3A_20 = arith.muli %arg1, %mul3A_19 : i32
      %scan3A = arith.constant 0 : i32
      %scan3A_21 = arith.constant 0 : i32
      %scan3A_22 = arith.constant 25 : i32
      %scan3A_23 = arith.addi %scan3A_21, %scan3A_22 : i32
      %scan3A_24 = arith.constant 1 : i32
      scf.for %scan3A_26 = %scan3A_21 to %scan3A_23 step %scan3A_24  : i32 {
        %mul3A_27 = arith.constant 8 : i32
        %mul3A_28 = arith.muli %scan3A_26, %mul3A_27 : i32
        %add3A = arith.addi %mul3A_20, %mul3A_28 : i32
        %multiple_of3A = tpu.assume_multiple %add3A, 8 : i32
        "tpu.region"() ({
          %run_scoped3A = tpu.sem_alloc : memref<!tpu.dma_semaphore, #tpu.memory_space<semaphore_mem>>
          %dma_start3A_139 = arith.constant 0 : i32
          %dma_start3A_140 = tpu.memref_slice %arg3[%multiple_of3A, %dma_start3A_139] : memref<3200x100xi32, #tpu.memory_space<hbm>> -> memref<8x100xi32, #tpu.memory_space<hbm>>
          %dma_start3A_141 = arith.constant 0 : i32
          %dma_start3A_142 = tpu.memref_slice %arg3[%multiple_of3A, %dma_start3A_141] : memref<3200x100xi32, #tpu.memory_space<hbm>> -> memref<8x100xi32, #tpu.memory_space<hbm>>
          tpu.enqueue_dma source(%dma_start3A_142 : memref<8x100xi32, #tpu.memory_space<hbm>>) target(%arg9 : memref<8x100xi32, #tpu.memory_space<vmem>>) target_semaphore(%run_scoped3A : memref<!tpu.dma_semaphore, #tpu.memory_space<semaphore_mem>>)
          %dma_wait3A_143 = arith.constant 0 : i32
          %dma_wait3A_144 = tpu.memref_slice %arg3[%multiple_of3A, %dma_wait3A_143] : memref<3200x100xi32, #tpu.memory_space<hbm>> -> memref<8x100xi32, #tpu.memory_space<hbm>>
          %dma_wait3A_145 = arith.constant 0 : i32
          %dma_wait3A_146 = tpu.memref_slice %arg3[%multiple_of3A, %dma_wait3A_145] : memref<3200x100xi32, #tpu.memory_space<hbm>> -> memref<8x100xi32, #tpu.memory_space<hbm>>
          tpu.wait_dma2 semaphore(%run_scoped3A : memref<!tpu.dma_semaphore, #tpu.memory_space<semaphore_mem>>) src(%dma_wait3A_146 : memref<8x100xi32, #tpu.memory_space<hbm>>) dst(%arg9 : memref<8x100xi32, #tpu.memory_space<vmem>>)
          tpu.yield
        }) : () -> ()
        %dma_start3A = arith.constant 0 : i32
        %dma_start3A_29 = arith.constant 0 : i32
        %dma_start3A_30 = tpu.memref_slice %arg9[%dma_start3A, %dma_start3A_29] : memref<8x100xi32, #tpu.memory_space<vmem>> -> memref<1x100xi32, #tpu.memory_space<vmem>>
        %dma_start3A_31 = tpu.memref_squeeze %dma_start3A_30 : memref<1x100xi32, #tpu.memory_space<vmem>> -> memref<100xi32, #tpu.memory_space<vmem>>
        %dma_start3A_32 = arith.constant 0 : i32
        %dma_start3A_33 = arith.constant 0 : i32
        %dma_start3A_34 = tpu.memref_slice %arg8[%dma_start3A_32, %dma_start3A_33] : memref<10240x128xf32, #tpu.memory_space<vmem_shared>> -> memref<10240x128xf32, #tpu.memory_space<vmem_shared>>
        tpu.enqueue_indirect_dma source(%arg10 : memref<100x128xf32, #tpu.memory_space<vmem>>) target(%dma_start3A_34 : memref<10240x128xf32, #tpu.memory_space<vmem_shared>>) offsets(%dma_start3A_31 : memref<100xi32, #tpu.memory_space<vmem>>) semaphore(%arg11 : memref<!tpu.dma_semaphore, #tpu.memory_space<semaphore_mem>>) {add = true}
        %dma_start3A_35 = arith.constant 1 : i32
        %dma_start3A_36 = arith.constant 0 : i32
        %dma_start3A_37 = tpu.memref_slice %arg9[%dma_start3A_35, %dma_start3A_36] : memref<8x100xi32, #tpu.memory_space<vmem>> -> memref<1x100xi32, #tpu.memory_space<vmem>>
        %dma_start3A_38 = tpu.memref_squeeze %dma_start3A_37 : memref<1x100xi32, #tpu.memory_space<vmem>> -> memref<100xi32, #tpu.memory_space<vmem>>
        %dma_start3A_39 = arith.constant 0 : i32
        %dma_start3A_40 = arith.constant 0 : i32
        %dma_start3A_41 = tpu.memref_slice %arg8[%dma_start3A_39, %dma_start3A_40] : memref<10240x128xf32, #tpu.memory_space<vmem_shared>> -> memref<10240x128xf32, #tpu.memory_space<vmem_shared>>
        tpu.enqueue_indirect_dma source(%arg10 : memref<100x128xf32, #tpu.memory_space<vmem>>) target(%dma_start3A_41 : memref<10240x128xf32, #tpu.memory_space<vmem_shared>>) offsets(%dma_start3A_38 : memref<100xi32, #tpu.memory_space<vmem>>) semaphore(%arg11 : memref<!tpu.dma_semaphore, #tpu.memory_space<semaphore_mem>>) {add = true}
        %dma_start3A_42 = arith.constant 2 : i32
        %dma_start3A_43 = arith.constant 0 : i32
        %dma_start3A_44 = tpu.memref_slice %arg9[%dma_start3A_42, %dma_start3A_43] : memref<8x100xi32, #tpu.memory_space<vmem>> -> memref<1x100xi32, #tpu.memory_space<vmem>>
        %dma_start3A_45 = tpu.memref_squeeze %dma_start3A_44 : memref<1x100xi32, #tpu.memory_space<vmem>> -> memref<100xi32, #tpu.memory_space<vmem>>
        %dma_start3A_46 = arith.constant 0 : i32
        %dma_start3A_47 = arith.constant 0 : i32
        %dma_start3A_48 = tpu.memref_slice %arg8[%dma_start3A_46, %dma_start3A_47] : memref<10240x128xf32, #tpu.memory_space<vmem_shared>> -> memref<10240x128xf32, #tpu.memory_space<vmem_shared>>
        tpu.enqueue_indirect_dma source(%arg10 : memref<100x128xf32, #tpu.memory_space<vmem>>) target(%dma_start3A_48 : memref<10240x128xf32, #tpu.memory_space<vmem_shared>>) offsets(%dma_start3A_45 : memref<100xi32, #tpu.memory_space<vmem>>) semaphore(%arg11 : memref<!tpu.dma_semaphore, #tpu.memory_space<semaphore_mem>>) {add = true}
        %dma_start3A_49 = arith.constant 3 : i32
        %dma_start3A_50 = arith.constant 0 : i32
        %dma_start3A_51 = tpu.memref_slice %arg9[%dma_start3A_49, %dma_start3A_50] : memref<8x100xi32, #tpu.memory_space<vmem>> -> memref<1x100xi32, #tpu.memory_space<vmem>>
        %dma_start3A_52 = tpu.memref_squeeze %dma_start3A_51 : memref<1x100xi32, #tpu.memory_space<vmem>> -> memref<100xi32, #tpu.memory_space<vmem>>
        %dma_start3A_53 = arith.constant 0 : i32
        %dma_start3A_54 = arith.constant 0 : i32
        %dma_start3A_55 = tpu.memref_slice %arg8[%dma_start3A_53, %dma_start3A_54] : memref<10240x128xf32, #tpu.memory_space<vmem_shared>> -> memref<10240x128xf32, #tpu.memory_space<vmem_shared>>
        tpu.enqueue_indirect_dma source(%arg10 : memref<100x128xf32, #tpu.memory_space<vmem>>) target(%dma_start3A_55 : memref<10240x128xf32, #tpu.memory_space<vmem_shared>>) offsets(%dma_start3A_52 : memref<100xi32, #tpu.memory_space<vmem>>) semaphore(%arg11 : memref<!tpu.dma_semaphore, #tpu.memory_space<semaphore_mem>>) {add = true}
        %dma_start3A_56 = arith.constant 4 : i32
        %dma_start3A_57 = arith.constant 0 : i32
        %dma_start3A_58 = tpu.memref_slice %arg9[%dma_start3A_56, %dma_start3A_57] : memref<8x100xi32, #tpu.memory_space<vmem>> -> memref<1x100xi32, #tpu.memory_space<vmem>>
        %dma_start3A_59 = tpu.memref_squeeze %dma_start3A_58 : memref<1x100xi32, #tpu.memory_space<vmem>> -> memref<100xi32, #tpu.memory_space<vmem>>
        %dma_start3A_60 = arith.constant 0 : i32
        %dma_start3A_61 = arith.constant 0 : i32
        %dma_start3A_62 = tpu.memref_slice %arg8[%dma_start3A_60, %dma_start3A_61] : memref<10240x128xf32, #tpu.memory_space<vmem_shared>> -> memref<10240x128xf32, #tpu.memory_space<vmem_shared>>
        tpu.enqueue_indirect_dma source(%arg10 : memref<100x128xf32, #tpu.memory_space<vmem>>) target(%dma_start3A_62 : memref<10240x128xf32, #tpu.memory_space<vmem_shared>>) offsets(%dma_start3A_59 : memref<100xi32, #tpu.memory_space<vmem>>) semaphore(%arg11 : memref<!tpu.dma_semaphore, #tpu.memory_space<semaphore_mem>>) {add = true}
        %dma_start3A_63 = arith.constant 5 : i32
        %dma_start3A_64 = arith.constant 0 : i32
        %dma_start3A_65 = tpu.memref_slice %arg9[%dma_start3A_63, %dma_start3A_64] : memref<8x100xi32, #tpu.memory_space<vmem>> -> memref<1x100xi32, #tpu.memory_space<vmem>>
        %dma_start3A_66 = tpu.memref_squeeze %dma_start3A_65 : memref<1x100xi32, #tpu.memory_space<vmem>> -> memref<100xi32, #tpu.memory_space<vmem>>
        %dma_start3A_67 = arith.constant 0 : i32
        %dma_start3A_68 = arith.constant 0 : i32
        %dma_start3A_69 = tpu.memref_slice %arg8[%dma_start3A_67, %dma_start3A_68] : memref<10240x128xf32, #tpu.memory_space<vmem_shared>> -> memref<10240x128xf32, #tpu.memory_space<vmem_shared>>
        tpu.enqueue_indirect_dma source(%arg10 : memref<100x128xf32, #tpu.memory_space<vmem>>) target(%dma_start3A_69 : memref<10240x128xf32, #tpu.memory_space<vmem_shared>>) offsets(%dma_start3A_66 : memref<100xi32, #tpu.memory_space<vmem>>) semaphore(%arg11 : memref<!tpu.dma_semaphore, #tpu.memory_space<semaphore_mem>>) {add = true}
        %dma_start3A_70 = arith.constant 6 : i32
        %dma_start3A_71 = arith.constant 0 : i32
        %dma_start3A_72 = tpu.memref_slice %arg9[%dma_start3A_70, %dma_start3A_71] : memref<8x100xi32, #tpu.memory_space<vmem>> -> memref<1x100xi32, #tpu.memory_space<vmem>>
        %dma_start3A_73 = tpu.memref_squeeze %dma_start3A_72 : memref<1x100xi32, #tpu.memory_space<vmem>> -> memref<100xi32, #tpu.memory_space<vmem>>
        %dma_start3A_74 = arith.constant 0 : i32
        %dma_start3A_75 = arith.constant 0 : i32
        %dma_start3A_76 = tpu.memref_slice %arg8[%dma_start3A_74, %dma_start3A_75] : memref<10240x128xf32, #tpu.memory_space<vmem_shared>> -> memref<10240x128xf32, #tpu.memory_space<vmem_shared>>
        tpu.enqueue_indirect_dma source(%arg10 : memref<100x128xf32, #tpu.memory_space<vmem>>) target(%dma_start3A_76 : memref<10240x128xf32, #tpu.memory_space<vmem_shared>>) offsets(%dma_start3A_73 : memref<100xi32, #tpu.memory_space<vmem>>) semaphore(%arg11 : memref<!tpu.dma_semaphore, #tpu.memory_space<semaphore_mem>>) {add = true}
        %dma_start3A_77 = arith.constant 7 : i32
        %dma_start3A_78 = arith.constant 0 : i32
        %dma_start3A_79 = tpu.memref_slice %arg9[%dma_start3A_77, %dma_start3A_78] : memref<8x100xi32, #tpu.memory_space<vmem>> -> memref<1x100xi32, #tpu.memory_space<vmem>>
        %dma_start3A_80 = tpu.memref_squeeze %dma_start3A_79 : memref<1x100xi32, #tpu.memory_space<vmem>> -> memref<100xi32, #tpu.memory_space<vmem>>
        %dma_start3A_81 = arith.constant 0 : i32
        %dma_start3A_82 = arith.constant 0 : i32
        %dma_start3A_83 = tpu.memref_slice %arg8[%dma_start3A_81, %dma_start3A_82] : memref<10240x128xf32, #tpu.memory_space<vmem_shared>> -> memref<10240x128xf32, #tpu.memory_space<vmem_shared>>
        tpu.enqueue_indirect_dma source(%arg10 : memref<100x128xf32, #tpu.memory_space<vmem>>) target(%dma_start3A_83 : memref<10240x128xf32, #tpu.memory_space<vmem_shared>>) offsets(%dma_start3A_80 : memref<100xi32, #tpu.memory_space<vmem>>) semaphore(%arg11 : memref<!tpu.dma_semaphore, #tpu.memory_space<semaphore_mem>>) {add = true}
        %dma_wait3A = arith.constant 0 : i32
        %dma_wait3A_84 = arith.constant 0 : i32
        %dma_wait3A_85 = tpu.memref_slice %arg9[%dma_wait3A, %dma_wait3A_84] : memref<8x100xi32, #tpu.memory_space<vmem>> -> memref<1x100xi32, #tpu.memory_space<vmem>>
        %dma_wait3A_86 = tpu.memref_squeeze %dma_wait3A_85 : memref<1x100xi32, #tpu.memory_space<vmem>> -> memref<100xi32, #tpu.memory_space<vmem>>
        %dma_wait3A_87 = arith.constant 0 : i32
        %dma_wait3A_88 = arith.constant 0 : i32
        %dma_wait3A_89 = tpu.memref_slice %arg8[%dma_wait3A_87, %dma_wait3A_88] : memref<10240x128xf32, #tpu.memory_space<vmem_shared>> -> memref<10240x128xf32, #tpu.memory_space<vmem_shared>>
        tpu.wait_indirect_dma semaphore(%arg11 : memref<!tpu.dma_semaphore, #tpu.memory_space<semaphore_mem>>) src(%arg10 : memref<100x128xf32, #tpu.memory_space<vmem>>) dst(%dma_wait3A_89 : memref<10240x128xf32, #tpu.memory_space<vmem_shared>>)
        %dma_wait3A_90 = arith.constant 1 : i32
        %dma_wait3A_91 = arith.constant 0 : i32
        %dma_wait3A_92 = tpu.memref_slice %arg9[%dma_wait3A_90, %dma_wait3A_91] : memref<8x100xi32, #tpu.memory_space<vmem>> -> memref<1x100xi32, #tpu.memory_space<vmem>>
        %dma_wait3A_93 = tpu.memref_squeeze %dma_wait3A_92 : memref<1x100xi32, #tpu.memory_space<vmem>> -> memref<100xi32, #tpu.memory_space<vmem>>
        %dma_wait3A_94 = arith.constant 0 : i32
        %dma_wait3A_95 = arith.constant 0 : i32
        %dma_wait3A_96 = tpu.memref_slice %arg8[%dma_wait3A_94, %dma_wait3A_95] : memref<10240x128xf32, #tpu.memory_space<vmem_shared>> -> memref<10240x128xf32, #tpu.memory_space<vmem_shared>>
        tpu.wait_indirect_dma semaphore(%arg11 : memref<!tpu.dma_semaphore, #tpu.memory_space<semaphore_mem>>) src(%arg10 : memref<100x128xf32, #tpu.memory_space<vmem>>) dst(%dma_wait3A_96 : memref<10240x128xf32, #tpu.memory_space<vmem_shared>>)
        %dma_wait3A_97 = arith.constant 2 : i32
        %dma_wait3A_98 = arith.constant 0 : i32
        %dma_wait3A_99 = tpu.memref_slice %arg9[%dma_wait3A_97, %dma_wait3A_98] : memref<8x100xi32, #tpu.memory_space<vmem>> -> memref<1x100xi32, #tpu.memory_space<vmem>>
        %dma_wait3A_100 = tpu.memref_squeeze %dma_wait3A_99 : memref<1x100xi32, #tpu.memory_space<vmem>> -> memref<100xi32, #tpu.memory_space<vmem>>
        %dma_wait3A_101 = arith.constant 0 : i32
        %dma_wait3A_102 = arith.constant 0 : i32
        %dma_wait3A_103 = tpu.memref_slice %arg8[%dma_wait3A_101, %dma_wait3A_102] : memref<10240x128xf32, #tpu.memory_space<vmem_shared>> -> memref<10240x128xf32, #tpu.memory_space<vmem_shared>>
        tpu.wait_indirect_dma semaphore(%arg11 : memref<!tpu.dma_semaphore, #tpu.memory_space<semaphore_mem>>) src(%arg10 : memref<100x128xf32, #tpu.memory_space<vmem>>) dst(%dma_wait3A_103 : memref<10240x128xf32, #tpu.memory_space<vmem_shared>>)
        %dma_wait3A_104 = arith.constant 3 : i32
        %dma_wait3A_105 = arith.constant 0 : i32
        %dma_wait3A_106 = tpu.memref_slice %arg9[%dma_wait3A_104, %dma_wait3A_105] : memref<8x100xi32, #tpu.memory_space<vmem>> -> memref<1x100xi32, #tpu.memory_space<vmem>>
        %dma_wait3A_107 = tpu.memref_squeeze %dma_wait3A_106 : memref<1x100xi32, #tpu.memory_space<vmem>> -> memref<100xi32, #tpu.memory_space<vmem>>
        %dma_wait3A_108 = arith.constant 0 : i32
        %dma_wait3A_109 = arith.constant 0 : i32
        %dma_wait3A_110 = tpu.memref_slice %arg8[%dma_wait3A_108, %dma_wait3A_109] : memref<10240x128xf32, #tpu.memory_space<vmem_shared>> -> memref<10240x128xf32, #tpu.memory_space<vmem_shared>>
        tpu.wait_indirect_dma semaphore(%arg11 : memref<!tpu.dma_semaphore, #tpu.memory_space<semaphore_mem>>) src(%arg10 : memref<100x128xf32, #tpu.memory_space<vmem>>) dst(%dma_wait3A_110 : memref<10240x128xf32, #tpu.memory_space<vmem_shared>>)
        %dma_wait3A_111 = arith.constant 4 : i32
        %dma_wait3A_112 = arith.constant 0 : i32
        %dma_wait3A_113 = tpu.memref_slice %arg9[%dma_wait3A_111, %dma_wait3A_112] : memref<8x100xi32, #tpu.memory_space<vmem>> -> memref<1x100xi32, #tpu.memory_space<vmem>>
        %dma_wait3A_114 = tpu.memref_squeeze %dma_wait3A_113 : memref<1x100xi32, #tpu.memory_space<vmem>> -> memref<100xi32, #tpu.memory_space<vmem>>
        %dma_wait3A_115 = arith.constant 0 : i32
        %dma_wait3A_116 = arith.constant 0 : i32
        %dma_wait3A_117 = tpu.memref_slice %arg8[%dma_wait3A_115, %dma_wait3A_116] : memref<10240x128xf32, #tpu.memory_space<vmem_shared>> -> memref<10240x128xf32, #tpu.memory_space<vmem_shared>>
        tpu.wait_indirect_dma semaphore(%arg11 : memref<!tpu.dma_semaphore, #tpu.memory_space<semaphore_mem>>) src(%arg10 : memref<100x128xf32, #tpu.memory_space<vmem>>) dst(%dma_wait3A_117 : memref<10240x128xf32, #tpu.memory_space<vmem_shared>>)
        %dma_wait3A_118 = arith.constant 5 : i32
        %dma_wait3A_119 = arith.constant 0 : i32
        %dma_wait3A_120 = tpu.memref_slice %arg9[%dma_wait3A_118, %dma_wait3A_119] : memref<8x100xi32, #tpu.memory_space<vmem>> -> memref<1x100xi32, #tpu.memory_space<vmem>>
        %dma_wait3A_121 = tpu.memref_squeeze %dma_wait3A_120 : memref<1x100xi32, #tpu.memory_space<vmem>> -> memref<100xi32, #tpu.memory_space<vmem>>
        %dma_wait3A_122 = arith.constant 0 : i32
        %dma_wait3A_123 = arith.constant 0 : i32
        %dma_wait3A_124 = tpu.memref_slice %arg8[%dma_wait3A_122, %dma_wait3A_123] : memref<10240x128xf32, #tpu.memory_space<vmem_shared>> -> memref<10240x128xf32, #tpu.memory_space<vmem_shared>>
        tpu.wait_indirect_dma semaphore(%arg11 : memref<!tpu.dma_semaphore, #tpu.memory_space<semaphore_mem>>) src(%arg10 : memref<100x128xf32, #tpu.memory_space<vmem>>) dst(%dma_wait3A_124 : memref<10240x128xf32, #tpu.memory_space<vmem_shared>>)
        %dma_wait3A_125 = arith.constant 6 : i32
        %dma_wait3A_126 = arith.constant 0 : i32
        %dma_wait3A_127 = tpu.memref_slice %arg9[%dma_wait3A_125, %dma_wait3A_126] : memref<8x100xi32, #tpu.memory_space<vmem>> -> memref<1x100xi32, #tpu.memory_space<vmem>>
        %dma_wait3A_128 = tpu.memref_squeeze %dma_wait3A_127 : memref<1x100xi32, #tpu.memory_space<vmem>> -> memref<100xi32, #tpu.memory_space<vmem>>
        %dma_wait3A_129 = arith.constant 0 : i32
        %dma_wait3A_130 = arith.constant 0 : i32
        %dma_wait3A_131 = tpu.memref_slice %arg8[%dma_wait3A_129, %dma_wait3A_130] : memref<10240x128xf32, #tpu.memory_space<vmem_shared>> -> memref<10240x128xf32, #tpu.memory_space<vmem_shared>>
        tpu.wait_indirect_dma semaphore(%arg11 : memref<!tpu.dma_semaphore, #tpu.memory_space<semaphore_mem>>) src(%arg10 : memref<100x128xf32, #tpu.memory_space<vmem>>) dst(%dma_wait3A_131 : memref<10240x128xf32, #tpu.memory_space<vmem_shared>>)
        %dma_wait3A_132 = arith.constant 7 : i32
        %dma_wait3A_133 = arith.constant 0 : i32
        %dma_wait3A_134 = tpu.memref_slice %arg9[%dma_wait3A_132, %dma_wait3A_133] : memref<8x100xi32, #tpu.memory_space<vmem>> -> memref<1x100xi32, #tpu.memory_space<vmem>>
        %dma_wait3A_135 = tpu.memref_squeeze %dma_wait3A_134 : memref<1x100xi32, #tpu.memory_space<vmem>> -> memref<100xi32, #tpu.memory_space<vmem>>
        %dma_wait3A_136 = arith.constant 0 : i32
        %dma_wait3A_137 = arith.constant 0 : i32
        %dma_wait3A_138 = tpu.memref_slice %arg8[%dma_wait3A_136, %dma_wait3A_137] : memref<10240x128xf32, #tpu.memory_space<vmem_shared>> -> memref<10240x128xf32, #tpu.memory_space<vmem_shared>>
        tpu.wait_indirect_dma semaphore(%arg11 : memref<!tpu.dma_semaphore, #tpu.memory_space<semaphore_mem>>) src(%arg10 : memref<100x128xf32, #tpu.memory_space<vmem>>) dst(%dma_wait3A_138 : memref<10240x128xf32, #tpu.memory_space<vmem_shared>>)
      }
      %scan3A_25 = arith.constant 25 : i32
    } else {
    }
    %eq3A_3 = arith.constant 1 : i32
    %eq3A_4 = arith.cmpi eq, %arg0, %eq3A_3 : i32
    %convert_element_type3A_5 = arith.extui %eq3A_4 : i1 to i32
    %cond3A_6 = arith.constant 0 : i32
    %cond3A_7 = arith.cmpi ne, %convert_element_type3A_5, %cond3A_6 : i32
    scf.if %cond3A_7 {
      %mul3A_19 = arith.constant 200 : i32
      %mul3A_20 = arith.muli %arg1, %mul3A_19 : i32
      %scan3A = arith.constant 0 : i32
      %scan3A_21 = arith.constant 0 : i32
      %scan3A_22 = arith.constant 25 : i32
      %scan3A_23 = arith.addi %scan3A_21, %scan3A_22 : i32
      %scan3A_24 = arith.constant 1 : i32
      scf.for %scan3A_26 = %scan3A_21 to %scan3A_23 step %scan3A_24  : i32 {
        %mul3A_27 = arith.constant 8 : i32
        %mul3A_28 = arith.muli %scan3A_26, %mul3A_27 : i32
        %add3A = arith.addi %mul3A_20, %mul3A_28 : i32
        %multiple_of3A = tpu.assume_multiple %add3A, 8 : i32
        "tpu.region"() ({
          %run_scoped3A = tpu.sem_alloc : memref<!tpu.dma_semaphore, #tpu.memory_space<semaphore_mem>>
          %dma_start3A_139 = arith.constant 0 : i32
          %dma_start3A_140 = tpu.memref_slice %arg2[%multiple_of3A, %dma_start3A_139] : memref<3200x100xi32, #tpu.memory_space<hbm>> -> memref<8x100xi32, #tpu.memory_space<hbm>>
          %dma_start3A_141 = arith.constant 0 : i32
          %dma_start3A_142 = tpu.memref_slice %arg2[%multiple_of3A, %dma_start3A_141] : memref<3200x100xi32, #tpu.memory_space<hbm>> -> memref<8x100xi32, #tpu.memory_space<hbm>>
          tpu.enqueue_dma source(%dma_start3A_142 : memref<8x100xi32, #tpu.memory_space<hbm>>) target(%arg9 : memref<8x100xi32, #tpu.memory_space<vmem>>) target_semaphore(%run_scoped3A : memref<!tpu.dma_semaphore, #tpu.memory_space<semaphore_mem>>)
          %dma_wait3A_143 = arith.constant 0 : i32
          %dma_wait3A_144 = tpu.memref_slice %arg2[%multiple_of3A, %dma_wait3A_143] : memref<3200x100xi32, #tpu.memory_space<hbm>> -> memref<8x100xi32, #tpu.memory_space<hbm>>
          %dma_wait3A_145 = arith.constant 0 : i32
          %dma_wait3A_146 = tpu.memref_slice %arg2[%multiple_of3A, %dma_wait3A_145] : memref<3200x100xi32, #tpu.memory_space<hbm>> -> memref<8x100xi32, #tpu.memory_space<hbm>>
          tpu.wait_dma2 semaphore(%run_scoped3A : memref<!tpu.dma_semaphore, #tpu.memory_space<semaphore_mem>>) src(%dma_wait3A_146 : memref<8x100xi32, #tpu.memory_space<hbm>>) dst(%arg9 : memref<8x100xi32, #tpu.memory_space<vmem>>)
          tpu.yield
        }) : () -> ()
        %dma_start3A = arith.constant 0 : i32
        %dma_start3A_29 = arith.constant 0 : i32
        %dma_start3A_30 = tpu.memref_slice %arg9[%dma_start3A, %dma_start3A_29] : memref<8x100xi32, #tpu.memory_space<vmem>> -> memref<1x100xi32, #tpu.memory_space<vmem>>
        %dma_start3A_31 = tpu.memref_squeeze %dma_start3A_30 : memref<1x100xi32, #tpu.memory_space<vmem>> -> memref<100xi32, #tpu.memory_space<vmem>>
        %dma_start3A_32 = arith.constant 0 : i32
        %dma_start3A_33 = arith.constant 0 : i32
        %dma_start3A_34 = tpu.memref_slice %arg8[%dma_start3A_32, %dma_start3A_33] : memref<10240x128xf32, #tpu.memory_space<vmem_shared>> -> memref<10240x128xf32, #tpu.memory_space<vmem_shared>>
        tpu.enqueue_indirect_dma source(%arg10 : memref<100x128xf32, #tpu.memory_space<vmem>>) target(%dma_start3A_34 : memref<10240x128xf32, #tpu.memory_space<vmem_shared>>) offsets(%dma_start3A_31 : memref<100xi32, #tpu.memory_space<vmem>>) semaphore(%arg11 : memref<!tpu.dma_semaphore, #tpu.memory_space<semaphore_mem>>) {add = true}
        %dma_start3A_35 = arith.constant 1 : i32
        %dma_start3A_36 = arith.constant 0 : i32
        %dma_start3A_37 = tpu.memref_slice %arg9[%dma_start3A_35, %dma_start3A_36] : memref<8x100xi32, #tpu.memory_space<vmem>> -> memref<1x100xi32, #tpu.memory_space<vmem>>
        %dma_start3A_38 = tpu.memref_squeeze %dma_start3A_37 : memref<1x100xi32, #tpu.memory_space<vmem>> -> memref<100xi32, #tpu.memory_space<vmem>>
        %dma_start3A_39 = arith.constant 0 : i32
        %dma_start3A_40 = arith.constant 0 : i32
        %dma_start3A_41 = tpu.memref_slice %arg8[%dma_start3A_39, %dma_start3A_40] : memref<10240x128xf32, #tpu.memory_space<vmem_shared>> -> memref<10240x128xf32, #tpu.memory_space<vmem_shared>>
        tpu.enqueue_indirect_dma source(%arg10 : memref<100x128xf32, #tpu.memory_space<vmem>>) target(%dma_start3A_41 : memref<10240x128xf32, #tpu.memory_space<vmem_shared>>) offsets(%dma_start3A_38 : memref<100xi32, #tpu.memory_space<vmem>>) semaphore(%arg11 : memref<!tpu.dma_semaphore, #tpu.memory_space<semaphore_mem>>) {add = true}
        %dma_start3A_42 = arith.constant 2 : i32
        %dma_start3A_43 = arith.constant 0 : i32
        %dma_start3A_44 = tpu.memref_slice %arg9[%dma_start3A_42, %dma_start3A_43] : memref<8x100xi32, #tpu.memory_space<vmem>> -> memref<1x100xi32, #tpu.memory_space<vmem>>
        %dma_start3A_45 = tpu.memref_squeeze %dma_start3A_44 : memref<1x100xi32, #tpu.memory_space<vmem>> -> memref<100xi32, #tpu.memory_space<vmem>>
        %dma_start3A_46 = arith.constant 0 : i32
        %dma_start3A_47 = arith.constant 0 : i32
        %dma_start3A_48 = tpu.memref_slice %arg8[%dma_start3A_46, %dma_start3A_47] : memref<10240x128xf32, #tpu.memory_space<vmem_shared>> -> memref<10240x128xf32, #tpu.memory_space<vmem_shared>>
        tpu.enqueue_indirect_dma source(%arg10 : memref<100x128xf32, #tpu.memory_space<vmem>>) target(%dma_start3A_48 : memref<10240x128xf32, #tpu.memory_space<vmem_shared>>) offsets(%dma_start3A_45 : memref<100xi32, #tpu.memory_space<vmem>>) semaphore(%arg11 : memref<!tpu.dma_semaphore, #tpu.memory_space<semaphore_mem>>) {add = true}
        %dma_start3A_49 = arith.constant 3 : i32
        %dma_start3A_50 = arith.constant 0 : i32
        %dma_start3A_51 = tpu.memref_slice %arg9[%dma_start3A_49, %dma_start3A_50] : memref<8x100xi32, #tpu.memory_space<vmem>> -> memref<1x100xi32, #tpu.memory_space<vmem>>
        %dma_start3A_52 = tpu.memref_squeeze %dma_start3A_51 : memref<1x100xi32, #tpu.memory_space<vmem>> -> memref<100xi32, #tpu.memory_space<vmem>>
        %dma_start3A_53 = arith.constant 0 : i32
        %dma_start3A_54 = arith.constant 0 : i32
        %dma_start3A_55 = tpu.memref_slice %arg8[%dma_start3A_53, %dma_start3A_54] : memref<10240x128xf32, #tpu.memory_space<vmem_shared>> -> memref<10240x128xf32, #tpu.memory_space<vmem_shared>>
        tpu.enqueue_indirect_dma source(%arg10 : memref<100x128xf32, #tpu.memory_space<vmem>>) target(%dma_start3A_55 : memref<10240x128xf32, #tpu.memory_space<vmem_shared>>) offsets(%dma_start3A_52 : memref<100xi32, #tpu.memory_space<vmem>>) semaphore(%arg11 : memref<!tpu.dma_semaphore, #tpu.memory_space<semaphore_mem>>) {add = true}
        %dma_start3A_56 = arith.constant 4 : i32
        %dma_start3A_57 = arith.constant 0 : i32
        %dma_start3A_58 = tpu.memref_slice %arg9[%dma_start3A_56, %dma_start3A_57] : memref<8x100xi32, #tpu.memory_space<vmem>> -> memref<1x100xi32, #tpu.memory_space<vmem>>
        %dma_start3A_59 = tpu.memref_squeeze %dma_start3A_58 : memref<1x100xi32, #tpu.memory_space<vmem>> -> memref<100xi32, #tpu.memory_space<vmem>>
        %dma_start3A_60 = arith.constant 0 : i32
        %dma_start3A_61 = arith.constant 0 : i32
        %dma_start3A_62 = tpu.memref_slice %arg8[%dma_start3A_60, %dma_start3A_61] : memref<10240x128xf32, #tpu.memory_space<vmem_shared>> -> memref<10240x128xf32, #tpu.memory_space<vmem_shared>>
        tpu.enqueue_indirect_dma source(%arg10 : memref<100x128xf32, #tpu.memory_space<vmem>>) target(%dma_start3A_62 : memref<10240x128xf32, #tpu.memory_space<vmem_shared>>) offsets(%dma_start3A_59 : memref<100xi32, #tpu.memory_space<vmem>>) semaphore(%arg11 : memref<!tpu.dma_semaphore, #tpu.memory_space<semaphore_mem>>) {add = true}
        %dma_start3A_63 = arith.constant 5 : i32
        %dma_start3A_64 = arith.constant 0 : i32
        %dma_start3A_65 = tpu.memref_slice %arg9[%dma_start3A_63, %dma_start3A_64] : memref<8x100xi32, #tpu.memory_space<vmem>> -> memref<1x100xi32, #tpu.memory_space<vmem>>
        %dma_start3A_66 = tpu.memref_squeeze %dma_start3A_65 : memref<1x100xi32, #tpu.memory_space<vmem>> -> memref<100xi32, #tpu.memory_space<vmem>>
        %dma_start3A_67 = arith.constant 0 : i32
        %dma_start3A_68 = arith.constant 0 : i32
        %dma_start3A_69 = tpu.memref_slice %arg8[%dma_start3A_67, %dma_start3A_68] : memref<10240x128xf32, #tpu.memory_space<vmem_shared>> -> memref<10240x128xf32, #tpu.memory_space<vmem_shared>>
        tpu.enqueue_indirect_dma source(%arg10 : memref<100x128xf32, #tpu.memory_space<vmem>>) target(%dma_start3A_69 : memref<10240x128xf32, #tpu.memory_space<vmem_shared>>) offsets(%dma_start3A_66 : memref<100xi32, #tpu.memory_space<vmem>>) semaphore(%arg11 : memref<!tpu.dma_semaphore, #tpu.memory_space<semaphore_mem>>) {add = true}
        %dma_start3A_70 = arith.constant 6 : i32
        %dma_start3A_71 = arith.constant 0 : i32
        %dma_start3A_72 = tpu.memref_slice %arg9[%dma_start3A_70, %dma_start3A_71] : memref<8x100xi32, #tpu.memory_space<vmem>> -> memref<1x100xi32, #tpu.memory_space<vmem>>
        %dma_start3A_73 = tpu.memref_squeeze %dma_start3A_72 : memref<1x100xi32, #tpu.memory_space<vmem>> -> memref<100xi32, #tpu.memory_space<vmem>>
        %dma_start3A_74 = arith.constant 0 : i32
        %dma_start3A_75 = arith.constant 0 : i32
        %dma_start3A_76 = tpu.memref_slice %arg8[%dma_start3A_74, %dma_start3A_75] : memref<10240x128xf32, #tpu.memory_space<vmem_shared>> -> memref<10240x128xf32, #tpu.memory_space<vmem_shared>>
        tpu.enqueue_indirect_dma source(%arg10 : memref<100x128xf32, #tpu.memory_space<vmem>>) target(%dma_start3A_76 : memref<10240x128xf32, #tpu.memory_space<vmem_shared>>) offsets(%dma_start3A_73 : memref<100xi32, #tpu.memory_space<vmem>>) semaphore(%arg11 : memref<!tpu.dma_semaphore, #tpu.memory_space<semaphore_mem>>) {add = true}
        %dma_start3A_77 = arith.constant 7 : i32
        %dma_start3A_78 = arith.constant 0 : i32
        %dma_start3A_79 = tpu.memref_slice %arg9[%dma_start3A_77, %dma_start3A_78] : memref<8x100xi32, #tpu.memory_space<vmem>> -> memref<1x100xi32, #tpu.memory_space<vmem>>
        %dma_start3A_80 = tpu.memref_squeeze %dma_start3A_79 : memref<1x100xi32, #tpu.memory_space<vmem>> -> memref<100xi32, #tpu.memory_space<vmem>>
        %dma_start3A_81 = arith.constant 0 : i32
        %dma_start3A_82 = arith.constant 0 : i32
        %dma_start3A_83 = tpu.memref_slice %arg8[%dma_start3A_81, %dma_start3A_82] : memref<10240x128xf32, #tpu.memory_space<vmem_shared>> -> memref<10240x128xf32, #tpu.memory_space<vmem_shared>>
        tpu.enqueue_indirect_dma source(%arg10 : memref<100x128xf32, #tpu.memory_space<vmem>>) target(%dma_start3A_83 : memref<10240x128xf32, #tpu.memory_space<vmem_shared>>) offsets(%dma_start3A_80 : memref<100xi32, #tpu.memory_space<vmem>>) semaphore(%arg11 : memref<!tpu.dma_semaphore, #tpu.memory_space<semaphore_mem>>) {add = true}
        %dma_wait3A = arith.constant 0 : i32
        %dma_wait3A_84 = arith.constant 0 : i32
        %dma_wait3A_85 = tpu.memref_slice %arg9[%dma_wait3A, %dma_wait3A_84] : memref<8x100xi32, #tpu.memory_space<vmem>> -> memref<1x100xi32, #tpu.memory_space<vmem>>
        %dma_wait3A_86 = tpu.memref_squeeze %dma_wait3A_85 : memref<1x100xi32, #tpu.memory_space<vmem>> -> memref<100xi32, #tpu.memory_space<vmem>>
        %dma_wait3A_87 = arith.constant 0 : i32
        %dma_wait3A_88 = arith.constant 0 : i32
        %dma_wait3A_89 = tpu.memref_slice %arg8[%dma_wait3A_87, %dma_wait3A_88] : memref<10240x128xf32, #tpu.memory_space<vmem_shared>> -> memref<10240x128xf32, #tpu.memory_space<vmem_shared>>
        tpu.wait_indirect_dma semaphore(%arg11 : memref<!tpu.dma_semaphore, #tpu.memory_space<semaphore_mem>>) src(%arg10 : memref<100x128xf32, #tpu.memory_space<vmem>>) dst(%dma_wait3A_89 : memref<10240x128xf32, #tpu.memory_space<vmem_shared>>)
        %dma_wait3A_90 = arith.constant 1 : i32
        %dma_wait3A_91 = arith.constant 0 : i32
        %dma_wait3A_92 = tpu.memref_slice %arg9[%dma_wait3A_90, %dma_wait3A_91] : memref<8x100xi32, #tpu.memory_space<vmem>> -> memref<1x100xi32, #tpu.memory_space<vmem>>
        %dma_wait3A_93 = tpu.memref_squeeze %dma_wait3A_92 : memref<1x100xi32, #tpu.memory_space<vmem>> -> memref<100xi32, #tpu.memory_space<vmem>>
        %dma_wait3A_94 = arith.constant 0 : i32
        %dma_wait3A_95 = arith.constant 0 : i32
        %dma_wait3A_96 = tpu.memref_slice %arg8[%dma_wait3A_94, %dma_wait3A_95] : memref<10240x128xf32, #tpu.memory_space<vmem_shared>> -> memref<10240x128xf32, #tpu.memory_space<vmem_shared>>
        tpu.wait_indirect_dma semaphore(%arg11 : memref<!tpu.dma_semaphore, #tpu.memory_space<semaphore_mem>>) src(%arg10 : memref<100x128xf32, #tpu.memory_space<vmem>>) dst(%dma_wait3A_96 : memref<10240x128xf32, #tpu.memory_space<vmem_shared>>)
        %dma_wait3A_97 = arith.constant 2 : i32
        %dma_wait3A_98 = arith.constant 0 : i32
        %dma_wait3A_99 = tpu.memref_slice %arg9[%dma_wait3A_97, %dma_wait3A_98] : memref<8x100xi32, #tpu.memory_space<vmem>> -> memref<1x100xi32, #tpu.memory_space<vmem>>
        %dma_wait3A_100 = tpu.memref_squeeze %dma_wait3A_99 : memref<1x100xi32, #tpu.memory_space<vmem>> -> memref<100xi32, #tpu.memory_space<vmem>>
        %dma_wait3A_101 = arith.constant 0 : i32
        %dma_wait3A_102 = arith.constant 0 : i32
        %dma_wait3A_103 = tpu.memref_slice %arg8[%dma_wait3A_101, %dma_wait3A_102] : memref<10240x128xf32, #tpu.memory_space<vmem_shared>> -> memref<10240x128xf32, #tpu.memory_space<vmem_shared>>
        tpu.wait_indirect_dma semaphore(%arg11 : memref<!tpu.dma_semaphore, #tpu.memory_space<semaphore_mem>>) src(%arg10 : memref<100x128xf32, #tpu.memory_space<vmem>>) dst(%dma_wait3A_103 : memref<10240x128xf32, #tpu.memory_space<vmem_shared>>)
        %dma_wait3A_104 = arith.constant 3 : i32
        %dma_wait3A_105 = arith.constant 0 : i32
        %dma_wait3A_106 = tpu.memref_slice %arg9[%dma_wait3A_104, %dma_wait3A_105] : memref<8x100xi32, #tpu.memory_space<vmem>> -> memref<1x100xi32, #tpu.memory_space<vmem>>
        %dma_wait3A_107 = tpu.memref_squeeze %dma_wait3A_106 : memref<1x100xi32, #tpu.memory_space<vmem>> -> memref<100xi32, #tpu.memory_space<vmem>>
        %dma_wait3A_108 = arith.constant 0 : i32
        %dma_wait3A_109 = arith.constant 0 : i32
        %dma_wait3A_110 = tpu.memref_slice %arg8[%dma_wait3A_108, %dma_wait3A_109] : memref<10240x128xf32, #tpu.memory_space<vmem_shared>> -> memref<10240x128xf32, #tpu.memory_space<vmem_shared>>
        tpu.wait_indirect_dma semaphore(%arg11 : memref<!tpu.dma_semaphore, #tpu.memory_space<semaphore_mem>>) src(%arg10 : memref<100x128xf32, #tpu.memory_space<vmem>>) dst(%dma_wait3A_110 : memref<10240x128xf32, #tpu.memory_space<vmem_shared>>)
        %dma_wait3A_111 = arith.constant 4 : i32
        %dma_wait3A_112 = arith.constant 0 : i32
        %dma_wait3A_113 = tpu.memref_slice %arg9[%dma_wait3A_111, %dma_wait3A_112] : memref<8x100xi32, #tpu.memory_space<vmem>> -> memref<1x100xi32, #tpu.memory_space<vmem>>
        %dma_wait3A_114 = tpu.memref_squeeze %dma_wait3A_113 : memref<1x100xi32, #tpu.memory_space<vmem>> -> memref<100xi32, #tpu.memory_space<vmem>>
        %dma_wait3A_115 = arith.constant 0 : i32
        %dma_wait3A_116 = arith.constant 0 : i32
        %dma_wait3A_117 = tpu.memref_slice %arg8[%dma_wait3A_115, %dma_wait3A_116] : memref<10240x128xf32, #tpu.memory_space<vmem_shared>> -> memref<10240x128xf32, #tpu.memory_space<vmem_shared>>
        tpu.wait_indirect_dma semaphore(%arg11 : memref<!tpu.dma_semaphore, #tpu.memory_space<semaphore_mem>>) src(%arg10 : memref<100x128xf32, #tpu.memory_space<vmem>>) dst(%dma_wait3A_117 : memref<10240x128xf32, #tpu.memory_space<vmem_shared>>)
        %dma_wait3A_118 = arith.constant 5 : i32
        %dma_wait3A_119 = arith.constant 0 : i32
        %dma_wait3A_120 = tpu.memref_slice %arg9[%dma_wait3A_118, %dma_wait3A_119] : memref<8x100xi32, #tpu.memory_space<vmem>> -> memref<1x100xi32, #tpu.memory_space<vmem>>
        %dma_wait3A_121 = tpu.memref_squeeze %dma_wait3A_120 : memref<1x100xi32, #tpu.memory_space<vmem>> -> memref<100xi32, #tpu.memory_space<vmem>>
        %dma_wait3A_122 = arith.constant 0 : i32
        %dma_wait3A_123 = arith.constant 0 : i32
        %dma_wait3A_124 = tpu.memref_slice %arg8[%dma_wait3A_122, %dma_wait3A_123] : memref<10240x128xf32, #tpu.memory_space<vmem_shared>> -> memref<10240x128xf32, #tpu.memory_space<vmem_shared>>
        tpu.wait_indirect_dma semaphore(%arg11 : memref<!tpu.dma_semaphore, #tpu.memory_space<semaphore_mem>>) src(%arg10 : memref<100x128xf32, #tpu.memory_space<vmem>>) dst(%dma_wait3A_124 : memref<10240x128xf32, #tpu.memory_space<vmem_shared>>)
        %dma_wait3A_125 = arith.constant 6 : i32
        %dma_wait3A_126 = arith.constant 0 : i32
        %dma_wait3A_127 = tpu.memref_slice %arg9[%dma_wait3A_125, %dma_wait3A_126] : memref<8x100xi32, #tpu.memory_space<vmem>> -> memref<1x100xi32, #tpu.memory_space<vmem>>
        %dma_wait3A_128 = tpu.memref_squeeze %dma_wait3A_127 : memref<1x100xi32, #tpu.memory_space<vmem>> -> memref<100xi32, #tpu.memory_space<vmem>>
        %dma_wait3A_129 = arith.constant 0 : i32
        %dma_wait3A_130 = arith.constant 0 : i32
        %dma_wait3A_131 = tpu.memref_slice %arg8[%dma_wait3A_129, %dma_wait3A_130] : memref<10240x128xf32, #tpu.memory_space<vmem_shared>> -> memref<10240x128xf32, #tpu.memory_space<vmem_shared>>
        tpu.wait_indirect_dma semaphore(%arg11 : memref<!tpu.dma_semaphore, #tpu.memory_space<semaphore_mem>>) src(%arg10 : memref<100x128xf32, #tpu.memory_space<vmem>>) dst(%dma_wait3A_131 : memref<10240x128xf32, #tpu.memory_space<vmem_shared>>)
        %dma_wait3A_132 = arith.constant 7 : i32
        %dma_wait3A_133 = arith.constant 0 : i32
        %dma_wait3A_134 = tpu.memref_slice %arg9[%dma_wait3A_132, %dma_wait3A_133] : memref<8x100xi32, #tpu.memory_space<vmem>> -> memref<1x100xi32, #tpu.memory_space<vmem>>
        %dma_wait3A_135 = tpu.memref_squeeze %dma_wait3A_134 : memref<1x100xi32, #tpu.memory_space<vmem>> -> memref<100xi32, #tpu.memory_space<vmem>>
        %dma_wait3A_136 = arith.constant 0 : i32
        %dma_wait3A_137 = arith.constant 0 : i32
        %dma_wait3A_138 = tpu.memref_slice %arg8[%dma_wait3A_136, %dma_wait3A_137] : memref<10240x128xf32, #tpu.memory_space<vmem_shared>> -> memref<10240x128xf32, #tpu.memory_space<vmem_shared>>
        tpu.wait_indirect_dma semaphore(%arg11 : memref<!tpu.dma_semaphore, #tpu.memory_space<semaphore_mem>>) src(%arg10 : memref<100x128xf32, #tpu.memory_space<vmem>>) dst(%dma_wait3A_138 : memref<10240x128xf32, #tpu.memory_space<vmem_shared>>)
      }
      %scan3A_25 = arith.constant 25 : i32
    } else {
    }
    %barrier3A_8 = arith.constant 0 : index
    tpu.barrier barrier_id(%barrier3A_8)
    %eq3A_9 = arith.constant 0 : i32
    %eq3A_10 = arith.cmpi eq, %arg0, %eq3A_9 : i32
    %convert_element_type3A_11 = arith.extui %eq3A_10 : i1 to i32
    %cond3A_12 = arith.constant 0 : i32
    %cond3A_13 = arith.cmpi ne, %convert_element_type3A_11, %cond3A_12 : i32
    scf.if %cond3A_13 {
      "tpu.region"() ({
        %run_scoped3A = tpu.sem_alloc : memref<!tpu.dma_semaphore, #tpu.memory_space<semaphore_mem>>
        %dma_start3A = arith.constant 0 : i32
        %dma_start3A_19 = tpu.memref_slice %arg6[%mul3A_0, %dma_start3A] : memref<10240x128xf32, #tpu.memory_space<hbm>> -> memref<640x128xf32, #tpu.memory_space<hbm>>
        %dma_start3A_20 = arith.constant 0 : i32
        %dma_start3A_21 = tpu.memref_slice %arg8[%mul3A_0, %dma_start3A_20] : memref<10240x128xf32, #tpu.memory_space<vmem_shared>> -> memref<640x128xf32, #tpu.memory_space<vmem_shared>>
        tpu.enqueue_dma source(%dma_start3A_21 : memref<640x128xf32, #tpu.memory_space<vmem_shared>>) target(%dma_start3A_19 : memref<640x128xf32, #tpu.memory_space<hbm>>) target_semaphore(%run_scoped3A : memref<!tpu.dma_semaphore, #tpu.memory_space<semaphore_mem>>)
        %dma_wait3A = arith.constant 0 : i32
        %dma_wait3A_22 = tpu.memref_slice %arg6[%mul3A_0, %dma_wait3A] : memref<10240x128xf32, #tpu.memory_space<hbm>> -> memref<640x128xf32, #tpu.memory_space<hbm>>
        %dma_wait3A_23 = arith.constant 0 : i32
        %dma_wait3A_24 = tpu.memref_slice %arg8[%mul3A_0, %dma_wait3A_23] : memref<10240x128xf32, #tpu.memory_space<vmem_shared>> -> memref<640x128xf32, #tpu.memory_space<vmem_shared>>
        tpu.wait_dma2 semaphore(%run_scoped3A : memref<!tpu.dma_semaphore, #tpu.memory_space<semaphore_mem>>) src(%dma_wait3A_24 : memref<640x128xf32, #tpu.memory_space<vmem_shared>>) dst(%dma_wait3A_22 : memref<640x128xf32, #tpu.memory_space<hbm>>)
        tpu.yield
      }) : () -> ()
    } else {
    }
    %eq3A_14 = arith.constant 1 : i32
    %eq3A_15 = arith.cmpi eq, %arg0, %eq3A_14 : i32
    %convert_element_type3A_16 = arith.extui %eq3A_15 : i1 to i32
    %cond3A_17 = arith.constant 0 : i32
    %cond3A_18 = arith.cmpi ne, %convert_element_type3A_16, %cond3A_17 : i32
    scf.if %cond3A_18 {
      "tpu.region"() ({
        %run_scoped3A = tpu.sem_alloc : memref<!tpu.dma_semaphore, #tpu.memory_space<semaphore_mem>>
        %dma_start3A = arith.constant 0 : i32
        %dma_start3A_19 = tpu.memref_slice %arg7[%mul3A_0, %dma_start3A] : memref<10240x128xf32, #tpu.memory_space<hbm>> -> memref<640x128xf32, #tpu.memory_space<hbm>>
        %dma_start3A_20 = arith.constant 0 : i32
        %dma_start3A_21 = tpu.memref_slice %arg8[%mul3A_0, %dma_start3A_20] : memref<10240x128xf32, #tpu.memory_space<vmem_shared>> -> memref<640x128xf32, #tpu.memory_space<vmem_shared>>
        tpu.enqueue_dma source(%dma_start3A_21 : memref<640x128xf32, #tpu.memory_space<vmem_shared>>) target(%dma_start3A_19 : memref<640x128xf32, #tpu.memory_space<hbm>>) target_semaphore(%run_scoped3A : memref<!tpu.dma_semaphore, #tpu.memory_space<semaphore_mem>>)
        %dma_wait3A = arith.constant 0 : i32
        %dma_wait3A_22 = tpu.memref_slice %arg7[%mul3A_0, %dma_wait3A] : memref<10240x128xf32, #tpu.memory_space<hbm>> -> memref<640x128xf32, #tpu.memory_space<hbm>>
        %dma_wait3A_23 = arith.constant 0 : i32
        %dma_wait3A_24 = tpu.memref_slice %arg8[%mul3A_0, %dma_wait3A_23] : memref<10240x128xf32, #tpu.memory_space<vmem_shared>> -> memref<640x128xf32, #tpu.memory_space<vmem_shared>>
        tpu.wait_dma2 semaphore(%run_scoped3A : memref<!tpu.dma_semaphore, #tpu.memory_space<semaphore_mem>>) src(%dma_wait3A_24 : memref<640x128xf32, #tpu.memory_space<vmem_shared>>) dst(%dma_wait3A_22 : memref<640x128xf32, #tpu.memory_space<hbm>>)
        tpu.yield
      }) : () -> ()
    } else {
    }
    return
  }
}

</mosaic_0001>

<sc_bundles>
// kernel: _deg.3.cloned.1.call-start
scs
__scs_entry_jumppad:
0x0: {  	(pc) =	sbr.rel $0x88, $3  }
0x1: {  	(tag) =	ssettag $0x0;
	lr =	simm.s32 $0x1  }
0x2: {  	[smem:$0x3F9D] =	sst lr;
	_ =	strace $0xD0000000  }
0x3: {  	_ = 	snop  }
0x4: {  	_ = 	snop  }
0x5: {  	_ = 	snop  }
0x6: {  	_ = 	snop  }
0x7: {  	_ = 	snop  }
__scs_overlays_trampoline_lowered:
0x8: {  	[smem:$0x3FAC] =	sst s0  }
0x9: {  	[smem:$0x3FAD] =	sst s1  }
0xa: {  	[smem:$0x3FAE] =	sst s2  }
0xb: {  	[smem:$0x3FAF] =	sst s3  }
0xc: {  	[smem:$0x3FB0] =	sst s4  }
0xd: {  	[smem:$0x3FB1] =	sst s5  }
0xe: {  	[smem:$0x3FB2] =	sst s6  }
0xf: {  	[smem:$0x3FB3] =	sst s7  }
0x10: {  	[smem:$0x3FB4] =	sst s8  }
0x11: {  	[smem:$0x3FB5] =	sst s9;
	s0 =	simm.s32 @!p0 $0x0  }
0x12: {  	s1 =	sld [smem:$0x3F9B];
	s0 =	simm.s32 @p0 $0x1  }
0x13: {  	[smem:$0x3FB6] =	sst s0;
	s0 =	simm.s32 @!p1 $0x0  }
0x14: {  	s2 =	sld [smem:$0x3F9A];
	s0 =	simm.s32 @p1 $0x1  }
0x15: {  	[smem:$0x3FB7] =	sst s0;
	s0 =	simm.s32 @!p2 $0x0  }
0x16: {  	s3 =	sld [smem:$0x3FDB];
	s0 =	simm.s32 @p2 $0x1  }
0x17: {  	s4 =	simm.s32 $0x1BF5;
	[smem:$0x3FB9] =	sst s0  }
0x18: {  	s0 =	sld [smem:$0x3F9C];
	_ =	swait.ge [sflag:s4], $0x0  }
0x19: {  	s7 =	sld [smem:$0x3F9D]  }
0x1a: {  	s8 =	sadd.s32 $0xFFFFE003, lr  }
0x1b: {  	s9 =	sadd.s32 $0xFFFFFEF7, lr;
	s5 =	simm.s32 $0xFFFFFFFF;
	p2 =	slt.u32 s8, $0xFFFFF086  }
0x1c: {  	p1 =	slt.u32 s9, $0xF7A;
	s5 =	simm.s32 @!p2 $0x0  }
0x1d: {  	s5 =	simm.s32 @p1 $0x1;
	p0 =	seq.s32 s7, s2  }
0x1e: {  	s7 =	smul.u32 @!p0 $0xF7A, s2;
	p2 =	seq.s32 @!p0 s5, $0x0  }
0x1f: {  	s9 =	smul.u32 $0xF7A, s1;
	s8 =	simm.s32 @!p0 $0x1BF5;
	p2 =	por !p2, p0  }
0x20: {  	[sflag:s8] =	ssyncset.s32 @!p0 $0xFFFFF086;
	s6 =	sadd.s32 @!p0 s3, s7;
	s7 =	simm.s32 @!p0 $0x108  }
0x21: {  	s3 =	sadd.s32 s3, s9;
	s6 =	sadd.s32 @!p0 $0x88, s6;
	s7 =	simm.s32 @p2 $0x1082  }
0x22: {  	[simem:s7], [sflag:s8] =	dma.local @!p0 [hbm:s6], $0xF7A  }
0x23: {  	s9 =	sor.u32 $0xD0000000, s2;
	s6 =	simm.s32 $0x108;
	_ =	swait.ge @!p0 [sflag:s8], $0x0  }
0x24: {  	s3 =	sadd.s32 $0x88, s3;
	s6 =	simm.s32 @!p1 $0x1082;
	[sflag:s4] =	ssyncset.s32 $0xFFFFF086  }
0x25: {  	[simem:s6], [sflag:s4] =	dma.local [hbm:s3], $0xF7A  }
0x26: {  	[smem:$0x3F9D] =	sst s1;
	(tag) =	ssettag s2;
	_ =	strace s9  }
0x27: {  	s1 =	sld [smem:$0x3FAD]  }
0x28: {  	s2 =	sld [smem:$0x3FAE]  }
0x29: {  	s4 =	sld [smem:$0x3FB0]  }
0x2a: {  	p0 =	seq.s32 s5, $0x0;
	s5 =	sld [smem:$0x3FB1]  }
0x2b: {  	s6 =	sld [smem:$0x3FB2]  }
0x2c: {  	s7 =	sld [smem:$0x3FB3]  }
0x2d: {  	s3 =	simm.s32 $0x108;
	s8 =	sld [smem:$0x3FB4]  }
0x2e: {  	s3 =	simm.s32 @!p0 $0x1082;
	s9 =	sld [smem:$0x3FB5]  }
0x2f: {  	lr =	sadd.s32 s0, s3;
	s0 =	sld [smem:$0x3FAC]  }
0x30: {  	s3 =	sld [smem:$0x3FAF]  }
0x31: {  	[smem:$0x3FB8] =	sst s10  }
0x32: {  	s10 =	sld [smem:$0x3FB6];
	_ =	sdelay $0x3  }
0x33: {  	p0 =	seq.s32 s10, $0x1;
	s10 =	sld [smem:$0x3FB8];
	_ =	sdelay $0x3  }
0x34: {  	[smem:$0x3FB8] =	sst s10  }
0x35: {  	s10 =	sld [smem:$0x3FB7];
	_ =	sdelay $0x3  }
0x36: {  	p1 =	seq.s32 s10, $0x1;
	s10 =	sld [smem:$0x3FB8];
	_ =	sdelay $0x3  }
0x37: {  	[smem:$0x3FB8] =	sst s10  }
0x38: {  	s10 =	sld [smem:$0x3FB9]  }
0x39: {  	_ = 	snop;
	(pc) =	sbr.ind lr, $3  }
0x3a: {  	_ = 	snop  }
0x3b: {  	_ = 	snop  }
0x3c: {  	p2 =	seq.s32 s10, $0x1;
	s10 =	sld [smem:$0x3FB8]  }
0x3d: {  	_ =	shalt  }
0x3e: {  	_ =	shalt  }
0x3f: {  	_ =	shalt  }
0x40: {  	_ =	shalt  }
0x41: {  	_ =	shalt  }
0x42: {  	_ =	shalt  }
0x43: {  	_ =	shalt  }
0x44: {  	_ =	shalt  }
0x45: {  	_ =	shalt  }
0x46: {  	_ =	shalt  }
0x47: {  	_ =	shalt  }
0x48: {  	_ =	shalt  }
0x49: {  	_ =	shalt  }
0x4a: {  	_ =	shalt  }
0x4b: {  	_ =	shalt  }
0x4c: {  	_ =	shalt  }
0x4d: {  	_ =	shalt  }
0x4e: {  	_ =	shalt  }
0x4f: {  	_ =	shalt  }
0x50: {  	_ =	shalt  }
0x51: {  	_ =	shalt  }
0x52: {  	_ =	shalt  }
0x53: {  	_ =	shalt  }
0x54: {  	_ =	shalt  }
0x55: {  	_ =	shalt  }
0x56: {  	_ =	shalt  }
0x57: {  	_ =	shalt  }
0x58: {  	_ =	shalt  }
0x59: {  	_ =	shalt  }
0x5a: {  	_ =	shalt  }
0x5b: {  	_ =	shalt  }
0x5c: {  	_ =	shalt  }
0x5d: {  	_ =	shalt  }
0x5e: {  	_ =	shalt  }
0x5f: {  	_ =	shalt  }
0x60: {  	_ =	shalt  }
0x61: {  	_ =	shalt  }
0x62: {  	_ =	shalt  }
0x63: {  	_ =	shalt  }
0x64: {  	_ =	shalt  }
0x65: {  	_ =	shalt  }
0x66: {  	_ =	shalt  }
0x67: {  	_ =	shalt  }
0x68: {  	_ =	shalt  }
0x69: {  	_ =	shalt  }
0x6a: {  	_ =	shalt  }
0x6b: {  	_ =	shalt  }
0x6c: {  	_ =	shalt  }
0x6d: {  	_ =	shalt  }
0x6e: {  	_ =	shalt  }
0x6f: {  	_ =	shalt  }
0x70: {  	_ =	shalt  }
0x71: {  	_ =	shalt  }
0x72: {  	_ =	shalt  }
0x73: {  	_ =	shalt  }
0x74: {  	_ =	shalt  }
0x75: {  	_ =	shalt  }
0x76: {  	_ =	shalt  }
0x77: {  	_ =	shalt  }
0x78: {  	_ =	shalt  }
0x79: {  	_ =	shalt  }
0x7a: {  	_ =	shalt  }
0x7b: {  	_ =	shalt  }
0x7c: {  	_ =	shalt  }
0x7d: {  	_ =	shalt  }
0x7e: {  	_ =	shalt  }
0x7f: {  	_ =	shalt  }
0x80: {  	_ =	shalt  }
0x81: {  	_ =	shalt  }
0x82: {  	_ =	shalt  }
0x83: {  	_ =	shalt  }
0x84: {  	_ =	shalt  }
0x85: {  	_ =	shalt  }
0x86: {  	_ =	shalt  }
0x87: {  	_ =	shalt  }
.Lfunc_end0:
.L_simem_size_0:
called_computation_lowered:
.L_overlay_start_0:
0x88: {  	s2 =	sld [smem:$0x3FD9]  }
0x89: {  	s3 =	sld [smem:$0x3FFE];
	_ =	sdelay $0x1  }
0x8a: {  	s1 =	srdreg.scid  }
0x8b: {  	s0 =	sand.u32 $0x1, s1  }
0x8c: {  	s14 =	sshll.u32 s0, $0xA;
	s2 =	sadd.s32 s3, s2  }
0x8d: {  	s2 =	sadd.s32 s2, s14  }
0x8e: {  	[smem:$0x3FC4] =	sst s2  }
0x8f: {  	_ = 	snop  }
0x90: {  	s2 =	sld [smem:$0x3FD0];
	_ =	sdelay $0x1  }
0x91: {  	s15 =	sld [smem:$0x3FC7]  }
0x92: {  	s5 =	simm.s32 $0xA;
	s6 =	simm.s32 $0x10;
	s4 =	sld [smem:$0x3FC6]  }
0x93: {  	[smem:s6], [sflag:s5] =	dma.local [hbm:s2], $0x1  }
0x94: {  	_ =	swait.eq [sflag:s5], $0x1  }
0x95: {  	[sflag:s5] =	ssyncset.done $0x0  }
0x96: {  	s16 =	sld [smem:$0x10];
	[sflag:s5] =	ssyncadd.s32 $0xFFFFFFFF  }
0x97: {  	s17 =	sld [smem:$0x11];
	(tm) =	ssettm $0x1  }
0x98: {  	s18 =	sld [smem:$0x3FFB];
	_ =	sdelay $0x3  }
0x99: {  	_ =	strace s18  }
0x9a: {  	s6 =	sld [smem:$0x3FFC];
	_ =	sdelay $0x3  }
0x9b: {  	_ =	strace s6  }
0x9c: {  	s6 =	sld [smem:$0x3FFD];
	_ =	sdelay $0x3  }
0x9d: {  	_ =	strace s6  }
0x9e: {  	_ =	strace $0x8FFFFFFF  }
0x9f: {  	s19 =	sld [smem:$0x3FDB];
	_ =	sdelay $0x1  }
0xa0: {  	s7 =	simm.s32 $_scs_section_size  }
0xa1: {  	s8 =	simm.s32 $_size__tile_overlayer_lowered;
	s9 =	simm.s32 $_tile_overlayer_lowered  }
0xa2: {  	s22 =	simm.s32 $0x1BFF;
	s21 =	sshll.u32 s9, $0x1;
	s6 =	sadd.s32 s7, s19  }
0xa3: {  	s10 =	simm.s32 $0x0;
	s20 =	sshll.u32 s8, $0x1;
	s8 =	sadd.s32 s21, s6  }
0xa4: {  	[timem:s10], [sflag:s22] =	dma.local [hbm:s8], s20  }
0xa5: {  	_ =	swait.ge [sflag:s22], s20  }
0xa6: {  	s7 =	ssub.s32 $0x0, s20;
	[sflag:s22] =	ssyncset.done $0x0  }
0xa7: {  	[sflag:s22] =	ssyncadd.s32 s7;
	_ =	sdelay $0x1  }
0xa8: {  	s23 =	simm.s32 $0x1B8B  }
0xa9: {  	_ =	swait.ge [sflag:s23], $0x1  }
0xaa: {  	[sflag:s23] =	ssyncset.done $0x0  }
0xab: {  	s25 =	simm.s32 $0x1B8E;
	s24 =	sld [smem:$0x3FFE];
	[sflag:s23] =	ssyncadd.s32 $0xFFFFFFFF  }
0xac: {  	s26 =	simm.s32 $execute0_lowered;
	[smem:$0x3FD2] =	sst s25  }
0xad: {  	s8 =	sshll.u32 s26, $0x1;
	_ =	strace $0x80000046;
	[dreg:$0x1] =	wrdreg $0xFFFFFFFF  }
0xae: {  	s28 =	simm.s32 $_size_execute0_lowered;
	s6 =	sadd.s32 s6, s8;
	[dreg:$0x0] =	wrdreg $0x0  }
0xaf: {  	s8 =	sshll.u32 s28, $0x1;
	[dreg:$0x2] =	wrdreg s6  }
0xb0: {  	[dreg:$0x3] =	wrdreg s8  }
0xb1: {  	[dreg:$0x4] =	wrdreg $0xC0  }
0xb2: {  	_ =	task [dreg:s10], $0x5FFFF  }
0xb3: {  	[dreg:$0x1] =	wrdreg $0xFFFFFFFF  }
0xb4: {  	[dreg:$0x0] =	wrdreg $0x60  }
0xb5: {  	[dreg:$0x2] =	wrdreg s24  }
0xb6: {  	[dreg:$0x3] =	wrdreg s15  }
0xb7: {  	[dreg:$0x4] =	wrdreg s4  }
0xb8: {  	[dreg:$0x5] =	wrdreg s16  }
0xb9: {  	[dreg:$0x6] =	wrdreg s17  }
0xba: {  	[dreg:$0x7] =	wrdreg $0x0  }
0xbb: {  	[dreg:$0x8] =	wrdreg $0x9  }
0xbc: {  	_ =	task.clear_ibuf [dreg:s10], $0x9FFFF;
	_ =	strace $0x90000046  }
0xbd: {  	s29 =	simm.s32 $0x9;
	_ =	strace $0x80000048  }
0xbe: {  	_ =	swait.ge [sflag:s29], $0x1  }
0xbf: {  	[sflag:s29] =	ssyncadd.s32 $0xFFFFFFFF  }
0xc0: {  	_ =	strace $0x90000048  }
0xc1: {  	_ =	sfence  }
0xc2: {  	s30 =	sld [smem:$0x0];
	_ =	sdelay $0x2  }
0xc3: {  	s31 =	sshll.u32 s1, $0xD;
	s1 =	sshrl.u32 s1, $0x2  }
0xc4: {  	s3 =	sand.u32 $0x4000, s31;
	s1 =	sadd.s32 s1, s30  }
0xc5: {  	s0 =	sor.u32 s3, s0;
	s1 =	sshll.u32 s1, $0x11  }
0xc6: {  	s0 =	sor.u32 s1, s0  }
0xc7: {  	s0 =	sadd.s32 $0x8F2B, s0  }
0xc8: {  	[sflag:s0] =	ssyncadd.remote.s32 $0x1  }
0xc9: {  	_ =	sfence.sel $0xFFFF  }
0xca: {  	[dreg:$0x0] =	wrdreg $0xFFFFFFFF;
	(pc) =	sbr.abs _section_cstart, $3  }
0xcb: {  	[dreg:$0x1] =	wrdreg $0xFFFFFFFF  }
0xcc: {  	_ =	task.clear_ibuf [dreg:s10], $0x2FFFF;
	_ =	strace $0x9FFFFFFF  }
0xcd: {  	(tm) =	ssettm $0x7FFFFFFF  }
tec
execute0_lowered:
.L_overlay_start_1:
0x0: {  	(tag) =	ssettag $0x1  }
0x1: {  	s7 =	rddreg [dreg:$0x0]  }
0x2: {  	s8 =	rddreg [dreg:$0x1]  }
0x3: {  	s1 =	rddreg [dreg:$0x2]  }
0x4: {  	s2 =	rddreg [dreg:$0x3]  }
0x5: {  	s4 =	rddreg [dreg:$0x4]  }
0x6: {  	s5 =	rddreg [dreg:$0x5]  }
0x7: {  	s0 =	rddreg [dreg:$0x6];
	s6 =	simm.s32 $0x0  }
0x8: {  	s3 =	stileid.u32;
	s9 =	srdreg.scid;
	s15 =	simm.s32 $0x14400  }
0x9: {  	s16 =	simm.s32 $0x14000;
	s17 =	simm.s32 $0x64;
	s18 =	simm.s32 $0x14080  }
0xa: {  	s19 =	simm.s32 $0x14100;
	s20 =	simm.s32 $0x14180;
	s21 =	simm.s32 $0x14200  }
0xb: {  	s22 =	simm.s32 $0x14280;
	s23 =	simm.s32 $0x14300;
	s24 =	simm.s32 $0x14380  }
0xc: {  	s25 =	simm.s32 $0x1;
	s26 =	simm.s32 $0x0;
	s10 =	smul.u32 $0xC80, s3  }
0xd: {  	[smem:$0x7FF] =	sst s6;
	s13 =	sand.u32 $0x1, s9;
	s11 =	smul.u32 $0x50000, s3  }
0xe: {  	s31 =	sshll.u32 s3, $0x6;
	_ =	strace $0x80000047;
	s9 =	ssub.s32 $0x2, s13  }
.Ltmp0:
0xf: {  	p0 =	sne.s32 s13, $0x0;
	s12 =	sadd.s32 s10, s7;
	(pc) =	sbr.rel .LBB2_1-.Ltmp0, $4  }
0x10: {  	s29 =	sshrl.u32 s9, $0x1;
	s7 =	smul.u32 $0x2800, s3;
	s30 =	sshrl.u32 s11, $0x2  }
0x11: {  	s10 =	ssub.s32 s9, s29;
	s14 =	sadd.s32 s30, s5;
	s9 =	sor.u32 $0x1C02, s31  }
0x12: {  	s11 =	sadd.s32 $0x800, s12;
	s12 =	sadd.s32 $0xD000, s12;
	s8 =	sadd.s32 s8, s7  }
0x13: {  	s10 =	smax.u32 s10, $0x1;
	s13 =	sshrl.u32 s14, $0x3;
	s14 =	simm.s32 $0x2  }
.LBB2_7:
0x14: {  	s28 =	sadd.s32 s28, s11;
	[sflag:s25] =	ssyncadd.s32 $0xFFFFCE00  }
0x15: {  	[tilespmem:s16], [sflag:$0x2] =	stream.linear.gather [hbm4b:s28+s6], $0x400, $0x38;
	[tilespmem:$0x17800] =	vst v63  }
0x16: {  	_ =	swait.ge [sflag:s14], $0x400  }
0x17: {  	[sflag:s14] =	ssyncset.done $0x0  }
0x18: {  	[sflag:s14] =	ssyncadd.s32 $0xFFFFFC00  }
0x19: {  	[spmem:s5] =	stream.indirect.scatter.add.f32 [tilespmem:s15], [sflag:$0x1], $0x80, s16, s17, $0xb8;
	[tilespmem:$0x17800] =	vst v63  }
0x1a: {  	_ = 	snop  }
0x1b: {  	[spmem:s5] =	stream.indirect.scatter.add.f32 [tilespmem:s15], [sflag:$0x1], $0x80, s18, s17, $0xb8;
	[tilespmem:$0x17800] =	vst v63  }
0x1c: {  	_ = 	snop  }
0x1d: {  	[spmem:s5] =	stream.indirect.scatter.add.f32 [tilespmem:s15], [sflag:$0x1], $0x80, s19, s17, $0xb8;
	[tilespmem:$0x17800] =	vst v63  }
0x1e: {  	_ = 	snop  }
0x1f: {  	[spmem:s5] =	stream.indirect.scatter.add.f32 [tilespmem:s15], [sflag:$0x1], $0x80, s20, s17, $0xb8;
	[tilespmem:$0x17800] =	vst v63  }
0x20: {  	_ = 	snop  }
0x21: {  	[spmem:s5] =	stream.indirect.scatter.add.f32 [tilespmem:s15], [sflag:$0x1], $0x80, s21, s17, $0xb8;
	[tilespmem:$0x17800] =	vst v63  }
0x22: {  	_ = 	snop  }
0x23: {  	[spmem:s5] =	stream.indirect.scatter.add.f32 [tilespmem:s15], [sflag:$0x1], $0x80, s22, s17, $0xb8;
	[tilespmem:$0x17800] =	vst v63  }
0x24: {  	_ = 	snop  }
0x25: {  	[spmem:s5] =	stream.indirect.scatter.add.f32 [tilespmem:s15], [sflag:$0x1], $0x80, s23, s17, $0xb8;
	[tilespmem:$0x17800] =	vst v63  }
0x26: {  	_ = 	snop  }
0x27: {  	[spmem:s5] =	stream.indirect.scatter.add.f32 [tilespmem:s15], [sflag:$0x1], $0x80, s24, s17, $0xb8;
	[tilespmem:$0x17800] =	vst v63  }
0x28: {  	_ =	swait.ge [sflag:s25], $0x3200  }
0x29: {  	[sflag:s25] =	ssyncset.done $0x0  }
0x2a: {  	[sflag:s25] =	ssyncadd.s32 $0xFFFFCE00  }
0x2b: {  	_ =	swait.ge [sflag:s25], $0x3200  }
0x2c: {  	[sflag:s25] =	ssyncset.done $0x0  }
0x2d: {  	[sflag:s25] =	ssyncadd.s32 $0xFFFFCE00  }
0x2e: {  	_ =	swait.ge [sflag:s25], $0x3200  }
0x2f: {  	[sflag:s25] =	ssyncset.done $0x0  }
0x30: {  	[sflag:s25] =	ssyncadd.s32 $0xFFFFCE00  }
0x31: {  	_ =	swait.ge [sflag:s25], $0x3200  }
0x32: {  	[sflag:s25] =	ssyncset.done $0x0  }
0x33: {  	[sflag:s25] =	ssyncadd.s32 $0xFFFFCE00  }
0x34: {  	_ =	swait.ge [sflag:s25], $0x3200  }
0x35: {  	[sflag:s25] =	ssyncset.done $0x0  }
0x36: {  	[sflag:s25] =	ssyncadd.s32 $0xFFFFCE00  }
0x37: {  	_ =	swait.ge [sflag:s25], $0x3200  }
0x38: {  	[sflag:s25] =	ssyncset.done $0x0  }
0x39: {  	[sflag:s25] =	ssyncadd.s32 $0xFFFFCE00  }
0x3a: {  	_ =	swait.ge [sflag:s25], $0x3200  }
0x3b: {  	[sflag:s25] =	ssyncset.done $0x0  }
0x3c: {  	[sflag:s25] =	ssyncadd.s32 $0xFFFFCE00  }
0x3d: {  	_ =	swait.ge [sflag:s25], $0x3200  }
0x3e: {  	[sflag:s25] =	ssyncset.done $0x0  }
0x3f: {  	s28 =	smov.u32 s4;
	[sflag:s25] =	ssyncadd.s32 $0xFFFFCE00  }
.LBB2_8:
0x40: {  	s26 =	sadd.s32 $0x1, s26  }
0x41: {  	p1 =	sne.s32 s26, s10  }
.Ltmp1:
0x42: {  	s28 =	sadd.s32 s28, s7;
	[bflag:$0x0] =	sbarrier.arrive $0xFFFF;
	(pc) =	sbr.rel @!p1 .LBB2_9-.Ltmp1, $4  }
0x43: {  	[hbm:s28], [sflag:s9] =	dma.local [spmem:s13], $0x2800  }
0x44: {  	_ =	swait.ge [sflag:s14], $0x2800  }
0x45: {  	[sflag:s14] =	ssyncset.done $0x0  }
0x46: {  	[sflag:s14] =	ssyncadd.s32 $0xFFFFD800  }
.LBB2_1:
0x47: {  	[spmem:s13], [sflag:s9] =	dma.local [hbm:s8], $0x2800  }
0x48: {  	_ =	swait.ge [sflag:s14], $0x2800  }
0x49: {  	[sflag:s14] =	ssyncset.done $0x0  }
0x4a: {  	[sflag:s14] =	ssyncadd.s32 $0xFFFFD800  }
0x4b: {  	[tilespmem:s15], [sflag:$0x2] =	stream.linear.gather [hbm4b:s1+s6], $0x3200, $0x38;
	[tilespmem:$0x17800] =	vst v63  }
.Ltmp2:
0x4c: {  	_ =	swait.ge [sflag:s14], $0x3200;
	(pc) =	sbr.rel @p0 .LBB2_5-.Ltmp2, $3  }
0x4d: {  	[sflag:s14] =	ssyncset.done $0x0  }
0x4e: {  	[sflag:s14] =	ssyncadd.s32 $0xFFFFCE00  }
0x4f: {  	[bflag:$0x0] =	sbarrier.arrive $0xFFFF;
	_ =	sdelay $0x1  }
0x50: {  	s28 =	sadd.s32 $0x0, s12  }
0x51: {  	[tilespmem:s16], [sflag:$0x2] =	stream.linear.gather [hbm4b:s28+s6], $0x400, $0x38;
	[tilespmem:$0x17800] =	vst v63  }
0x52: {  	_ =	swait.ge [sflag:s14], $0x400  }
0x53: {  	[sflag:s14] =	ssyncset.done $0x0  }
0x54: {  	[sflag:s14] =	ssyncadd.s32 $0xFFFFFC00  }
0x55: {  	[spmem:s5] =	stream.indirect.scatter.add.f32 [tilespmem:s15], [sflag:$0x1], $0x80, s16, s17, $0xb8;
	[tilespmem:$0x17800] =	vst v63  }
0x56: {  	_ = 	snop  }
0x57: {  	[spmem:s5] =	stream.indirect.scatter.add.f32 [tilespmem:s15], [sflag:$0x1], $0x80, s18, s17, $0xb8;
	[tilespmem:$0x17800] =	vst v63  }
0x58: {  	_ = 	snop  }
0x59: {  	[spmem:s5] =	stream.indirect.scatter.add.f32 [tilespmem:s15], [sflag:$0x1], $0x80, s19, s17, $0xb8;
	[tilespmem:$0x17800] =	vst v63  }
0x5a: {  	_ = 	snop  }
0x5b: {  	[spmem:s5] =	stream.indirect.scatter.add.f32 [tilespmem:s15], [sflag:$0x1], $0x80, s20, s17, $0xb8;
	[tilespmem:$0x17800] =	vst v63  }
0x5c: {  	_ = 	snop  }
0x5d: {  	[spmem:s5] =	stream.indirect.scatter.add.f32 [tilespmem:s15], [sflag:$0x1], $0x80, s21, s17, $0xb8;
	[tilespmem:$0x17800] =	vst v63  }
0x5e: {  	_ = 	snop  }
0x5f: {  	[spmem:s5] =	stream.indirect.scatter.add.f32 [tilespmem:s15], [sflag:$0x1], $0x80, s22, s17, $0xb8;
	[tilespmem:$0x17800] =	vst v63  }
0x60: {  	_ = 	snop  }
0x61: {  	[spmem:s5] =	stream.indirect.scatter.add.f32 [tilespmem:s15], [sflag:$0x1], $0x80, s23, s17, $0xb8;
	[tilespmem:$0x17800] =	vst v63  }
0x62: {  	_ = 	snop  }
0x63: {  	[spmem:s5] =	stream.indirect.scatter.add.f32 [tilespmem:s15], [sflag:$0x1], $0x80, s24, s17, $0xb8;
	[tilespmem:$0x17800] =	vst v63  }
0x64: {  	_ =	swait.ge [sflag:s25], $0x3200  }
0x65: {  	[sflag:s25] =	ssyncset.done $0x0  }
0x66: {  	[sflag:s25] =	ssyncadd.s32 $0xFFFFCE00  }
0x67: {  	_ =	swait.ge [sflag:s25], $0x3200  }
0x68: {  	[sflag:s25] =	ssyncset.done $0x0  }
0x69: {  	[sflag:s25] =	ssyncadd.s32 $0xFFFFCE00  }
0x6a: {  	_ =	swait.ge [sflag:s25], $0x3200  }
0x6b: {  	[sflag:s25] =	ssyncset.done $0x0  }
0x6c: {  	[sflag:s25] =	ssyncadd.s32 $0xFFFFCE00  }
0x6d: {  	_ =	swait.ge [sflag:s25], $0x3200  }
0x6e: {  	[sflag:s25] =	ssyncset.done $0x0  }
0x6f: {  	[sflag:s25] =	ssyncadd.s32 $0xFFFFCE00  }
0x70: {  	_ =	swait.ge [sflag:s25], $0x3200  }
0x71: {  	[sflag:s25] =	ssyncset.done $0x0  }
0x72: {  	[sflag:s25] =	ssyncadd.s32 $0xFFFFCE00  }
0x73: {  	_ =	swait.ge [sflag:s25], $0x3200  }
0x74: {  	[sflag:s25] =	ssyncset.done $0x0  }
0x75: {  	[sflag:s25] =	ssyncadd.s32 $0xFFFFCE00  }
0x76: {  	_ =	swait.ge [sflag:s25], $0x3200  }
0x77: {  	[sflag:s25] =	ssyncset.done $0x0  }
0x78: {  	[sflag:s25] =	ssyncadd.s32 $0xFFFFCE00  }
0x79: {  	_ =	swait.ge [sflag:s25], $0x3200  }
0x7a: {  	s30 =	simm.s32 $0x100;
	s28 =	simm.s32 $0x80;
	[sflag:s25] =	ssyncset.done $0x0  }
.LBB2_3:
0x7b: {  	s31 =	sadd.s32 s28, s12  }
0x7c: {  	[sflag:s25] =	ssyncadd.s32 $0xFFFFCE00;
	s28 =	smov.u32 s30;
	s29 =	sadd.s32 $0x80, s30  }
0x7d: {  	[tilespmem:s16], [sflag:$0x2] =	stream.linear.gather [hbm4b:s31+s6], $0x400, $0x38;
	[tilespmem:$0x17800] =	vst v63  }
0x7e: {  	p1 =	seq.s32 s30, $0xC00;
	_ =	swait.ge [sflag:s14], $0x400  }
0x7f: {  	[sflag:s14] =	ssyncset.done $0x0  }
0x80: {  	[sflag:s14] =	ssyncadd.s32 $0xFFFFFC00  }
0x81: {  	[spmem:s5] =	stream.indirect.scatter.add.f32 [tilespmem:s15], [sflag:$0x1], $0x80, s16, s17, $0xb8;
	[tilespmem:$0x17800] =	vst v63  }
0x82: {  	_ = 	snop  }
0x83: {  	[spmem:s5] =	stream.indirect.scatter.add.f32 [tilespmem:s15], [sflag:$0x1], $0x80, s18, s17, $0xb8;
	[tilespmem:$0x17800] =	vst v63  }
0x84: {  	_ = 	snop  }
0x85: {  	[spmem:s5] =	stream.indirect.scatter.add.f32 [tilespmem:s15], [sflag:$0x1], $0x80, s19, s17, $0xb8;
	[tilespmem:$0x17800] =	vst v63  }
0x86: {  	_ = 	snop  }
0x87: {  	[spmem:s5] =	stream.indirect.scatter.add.f32 [tilespmem:s15], [sflag:$0x1], $0x80, s20, s17, $0xb8;
	[tilespmem:$0x17800] =	vst v63  }
0x88: {  	_ = 	snop  }
0x89: {  	[spmem:s5] =	stream.indirect.scatter.add.f32 [tilespmem:s15], [sflag:$0x1], $0x80, s21, s17, $0xb8;
	[tilespmem:$0x17800] =	vst v63  }
0x8a: {  	_ = 	snop  }
0x8b: {  	[spmem:s5] =	stream.indirect.scatter.add.f32 [tilespmem:s15], [sflag:$0x1], $0x80, s22, s17, $0xb8;
	[tilespmem:$0x17800] =	vst v63  }
0x8c: {  	_ = 	snop  }
0x8d: {  	[spmem:s5] =	stream.indirect.scatter.add.f32 [tilespmem:s15], [sflag:$0x1], $0x80, s23, s17, $0xb8;
	[tilespmem:$0x17800] =	vst v63  }
0x8e: {  	_ = 	snop  }
0x8f: {  	[spmem:s5] =	stream.indirect.scatter.add.f32 [tilespmem:s15], [sflag:$0x1], $0x80, s24, s17, $0xb8;
	[tilespmem:$0x17800] =	vst v63  }
0x90: {  	_ =	swait.ge [sflag:s25], $0x3200  }
0x91: {  	[sflag:s25] =	ssyncset.done $0x0  }
0x92: {  	[sflag:s25] =	ssyncadd.s32 $0xFFFFCE00  }
0x93: {  	_ =	swait.ge [sflag:s25], $0x3200  }
0x94: {  	[sflag:s25] =	ssyncset.done $0x0  }
0x95: {  	[sflag:s25] =	ssyncadd.s32 $0xFFFFCE00  }
0x96: {  	_ =	swait.ge [sflag:s25], $0x3200  }
0x97: {  	[sflag:s25] =	ssyncset.done $0x0  }
0x98: {  	[sflag:s25] =	ssyncadd.s32 $0xFFFFCE00  }
0x99: {  	_ =	swait.ge [sflag:s25], $0x3200  }
0x9a: {  	[sflag:s25] =	ssyncset.done $0x0  }
0x9b: {  	[sflag:s25] =	ssyncadd.s32 $0xFFFFCE00  }
0x9c: {  	_ =	swait.ge [sflag:s25], $0x3200  }
0x9d: {  	[sflag:s25] =	ssyncset.done $0x0  }
0x9e: {  	[sflag:s25] =	ssyncadd.s32 $0xFFFFCE00  }
0x9f: {  	_ =	swait.ge [sflag:s25], $0x3200  }
0xa0: {  	[sflag:s25] =	ssyncset.done $0x0  }
0xa1: {  	[sflag:s25] =	ssyncadd.s32 $0xFFFFCE00  }
.Ltmp3:
0xa2: {  	_ =	swait.ge [sflag:s25], $0x3200;
	(pc) =	sbr.rel @!p1 .LBB2_3-.Ltmp3, $4  }
0xa3: {  	[sflag:s25] =	ssyncset.done $0x0  }
0xa4: {  	[sflag:s25] =	ssyncadd.s32 $0xFFFFCE00  }
0xa5: {  	_ =	swait.ge [sflag:s25], $0x3200  }
0xa6: {  	s30 =	smov.u32 s29;
	[sflag:s25] =	ssyncset.done $0x0  }
0xa7: {  	s28 =	sadd.s32 s28, s12;
	[sflag:s25] =	ssyncadd.s32 $0xFFFFCE00  }
0xa8: {  	[tilespmem:s16], [sflag:$0x2] =	stream.linear.gather [hbm4b:s28+s6], $0x400, $0x38;
	[tilespmem:$0x17800] =	vst v63  }
0xa9: {  	_ =	swait.ge [sflag:s14], $0x400  }
0xaa: {  	[sflag:s14] =	ssyncset.done $0x0  }
0xab: {  	[sflag:s14] =	ssyncadd.s32 $0xFFFFFC00  }
0xac: {  	[spmem:s5] =	stream.indirect.scatter.add.f32 [tilespmem:s15], [sflag:$0x1], $0x80, s16, s17, $0xb8;
	[tilespmem:$0x17800] =	vst v63  }
0xad: {  	_ = 	snop  }
0xae: {  	[spmem:s5] =	stream.indirect.scatter.add.f32 [tilespmem:s15], [sflag:$0x1], $0x80, s18, s17, $0xb8;
	[tilespmem:$0x17800] =	vst v63  }
0xaf: {  	_ = 	snop  }
0xb0: {  	[spmem:s5] =	stream.indirect.scatter.add.f32 [tilespmem:s15], [sflag:$0x1], $0x80, s19, s17, $0xb8;
	[tilespmem:$0x17800] =	vst v63  }
0xb1: {  	_ = 	snop  }
0xb2: {  	[spmem:s5] =	stream.indirect.scatter.add.f32 [tilespmem:s15], [sflag:$0x1], $0x80, s20, s17, $0xb8;
	[tilespmem:$0x17800] =	vst v63  }
0xb3: {  	_ = 	snop  }
0xb4: {  	[spmem:s5] =	stream.indirect.scatter.add.f32 [tilespmem:s15], [sflag:$0x1], $0x80, s21, s17, $0xb8;
	[tilespmem:$0x17800] =	vst v63  }
0xb5: {  	_ = 	snop  }
0xb6: {  	[spmem:s5] =	stream.indirect.scatter.add.f32 [tilespmem:s15], [sflag:$0x1], $0x80, s22, s17, $0xb8;
	[tilespmem:$0x17800] =	vst v63  }
0xb7: {  	_ = 	snop  }
0xb8: {  	[spmem:s5] =	stream.indirect.scatter.add.f32 [tilespmem:s15], [sflag:$0x1], $0x80, s23, s17, $0xb8;
	[tilespmem:$0x17800] =	vst v63  }
0xb9: {  	_ = 	snop  }
0xba: {  	[spmem:s5] =	stream.indirect.scatter.add.f32 [tilespmem:s15], [sflag:$0x1], $0x80, s24, s17, $0xb8;
	[tilespmem:$0x17800] =	vst v63  }
0xbb: {  	_ =	swait.ge [sflag:s25], $0x3200  }
0xbc: {  	[sflag:s25] =	ssyncset.done $0x0  }
0xbd: {  	[sflag:s25] =	ssyncadd.s32 $0xFFFFCE00  }
0xbe: {  	_ =	swait.ge [sflag:s25], $0x3200  }
0xbf: {  	[sflag:s25] =	ssyncset.done $0x0  }
0xc0: {  	[sflag:s25] =	ssyncadd.s32 $0xFFFFCE00  }
0xc1: {  	_ =	swait.ge [sflag:s25], $0x3200  }
0xc2: {  	[sflag:s25] =	ssyncset.done $0x0  }
0xc3: {  	[sflag:s25] =	ssyncadd.s32 $0xFFFFCE00  }
0xc4: {  	_ =	swait.ge [sflag:s25], $0x3200  }
0xc5: {  	[sflag:s25] =	ssyncset.done $0x0  }
0xc6: {  	[sflag:s25] =	ssyncadd.s32 $0xFFFFCE00  }
0xc7: {  	_ =	swait.ge [sflag:s25], $0x3200  }
0xc8: {  	[sflag:s25] =	ssyncset.done $0x0  }
0xc9: {  	[sflag:s25] =	ssyncadd.s32 $0xFFFFCE00  }
0xca: {  	_ =	swait.ge [sflag:s25], $0x3200  }
0xcb: {  	[sflag:s25] =	ssyncset.done $0x0  }
0xcc: {  	[sflag:s25] =	ssyncadd.s32 $0xFFFFCE00  }
0xcd: {  	_ =	swait.ge [sflag:s25], $0x3200  }
.Ltmp4:
0xce: {  	[sflag:s25] =	ssyncset.done $0x0;
	(pc) =	sbr.rel .LBB2_8-.Ltmp4, $4  }
0xcf: {  	[sflag:s25] =	ssyncadd.s32 $0xFFFFCE00  }
0xd0: {  	_ =	swait.ge [sflag:s25], $0x3200  }
0xd1: {  	[sflag:s25] =	ssyncset.done $0x0  }
0xd2: {  	s28 =	smov.u32 s2;
	[sflag:s25] =	ssyncadd.s32 $0xFFFFCE00  }
.LBB2_5:
0xd3: {  	s28 =	sadd.s32 $0x0, s11  }
0xd4: {  	[tilespmem:s16], [sflag:$0x2] =	stream.linear.gather [hbm4b:s28+s6], $0x400, $0x38;
	[tilespmem:$0x17800] =	vst v63  }
0xd5: {  	_ =	swait.ge [sflag:s14], $0x400  }
0xd6: {  	[sflag:s14] =	ssyncset.done $0x0  }
0xd7: {  	[sflag:s14] =	ssyncadd.s32 $0xFFFFFC00  }
0xd8: {  	[spmem:s5] =	stream.indirect.scatter.add.f32 [tilespmem:s15], [sflag:$0x1], $0x80, s16, s17, $0xb8;
	[tilespmem:$0x17800] =	vst v63  }
0xd9: {  	_ = 	snop  }
0xda: {  	[spmem:s5] =	stream.indirect.scatter.add.f32 [tilespmem:s15], [sflag:$0x1], $0x80, s18, s17, $0xb8;
	[tilespmem:$0x17800] =	vst v63  }
0xdb: {  	_ = 	snop  }
0xdc: {  	[spmem:s5] =	stream.indirect.scatter.add.f32 [tilespmem:s15], [sflag:$0x1], $0x80, s19, s17, $0xb8;
	[tilespmem:$0x17800] =	vst v63  }
0xdd: {  	_ = 	snop  }
0xde: {  	[spmem:s5] =	stream.indirect.scatter.add.f32 [tilespmem:s15], [sflag:$0x1], $0x80, s20, s17, $0xb8;
	[tilespmem:$0x17800] =	vst v63  }
0xdf: {  	_ = 	snop  }
0xe0: {  	[spmem:s5] =	stream.indirect.scatter.add.f32 [tilespmem:s15], [sflag:$0x1], $0x80, s21, s17, $0xb8;
	[tilespmem:$0x17800] =	vst v63  }
0xe1: {  	_ = 	snop  }
0xe2: {  	[spmem:s5] =	stream.indirect.scatter.add.f32 [tilespmem:s15], [sflag:$0x1], $0x80, s22, s17, $0xb8;
	[tilespmem:$0x17800] =	vst v63  }
0xe3: {  	_ = 	snop  }
0xe4: {  	[spmem:s5] =	stream.indirect.scatter.add.f32 [tilespmem:s15], [sflag:$0x1], $0x80, s23, s17, $0xb8;
	[tilespmem:$0x17800] =	vst v63  }
0xe5: {  	_ = 	snop  }
0xe6: {  	[spmem:s5] =	stream.indirect.scatter.add.f32 [tilespmem:s15], [sflag:$0x1], $0x80, s24, s17, $0xb8;
	[tilespmem:$0x17800] =	vst v63  }
0xe7: {  	_ =	swait.ge [sflag:s25], $0x3200  }
0xe8: {  	[sflag:s25] =	ssyncset.done $0x0  }
0xe9: {  	[sflag:s25] =	ssyncadd.s32 $0xFFFFCE00  }
0xea: {  	_ =	swait.ge [sflag:s25], $0x3200  }
0xeb: {  	[sflag:s25] =	ssyncset.done $0x0  }
0xec: {  	[sflag:s25] =	ssyncadd.s32 $0xFFFFCE00  }
0xed: {  	_ =	swait.ge [sflag:s25], $0x3200  }
0xee: {  	[sflag:s25] =	ssyncset.done $0x0  }
0xef: {  	[sflag:s25] =	ssyncadd.s32 $0xFFFFCE00  }
0xf0: {  	_ =	swait.ge [sflag:s25], $0x3200  }
0xf1: {  	[sflag:s25] =	ssyncset.done $0x0  }
0xf2: {  	[sflag:s25] =	ssyncadd.s32 $0xFFFFCE00  }
0xf3: {  	_ =	swait.ge [sflag:s25], $0x3200  }
0xf4: {  	[sflag:s25] =	ssyncset.done $0x0  }
0xf5: {  	[sflag:s25] =	ssyncadd.s32 $0xFFFFCE00  }
0xf6: {  	_ =	swait.ge [sflag:s25], $0x3200  }
0xf7: {  	[sflag:s25] =	ssyncset.done $0x0  }
0xf8: {  	[sflag:s25] =	ssyncadd.s32 $0xFFFFCE00  }
0xf9: {  	_ =	swait.ge [sflag:s25], $0x3200  }
0xfa: {  	[sflag:s25] =	ssyncset.done $0x0  }
0xfb: {  	[sflag:s25] =	ssyncadd.s32 $0xFFFFCE00  }
0xfc: {  	_ =	swait.ge [sflag:s25], $0x3200  }
0xfd: {  	s30 =	simm.s32 $0x100;
	s28 =	simm.s32 $0x80;
	[sflag:s25] =	ssyncset.done $0x0  }
.LBB2_6:
0xfe: {  	s31 =	sadd.s32 s28, s11  }
0xff: {  	[sflag:s25] =	ssyncadd.s32 $0xFFFFCE00;
	s28 =	smov.u32 s30;
	s29 =	sadd.s32 $0x80, s30  }
0x100: {  	[tilespmem:s16], [sflag:$0x2] =	stream.linear.gather [hbm4b:s31+s6], $0x400, $0x38;
	[tilespmem:$0x17800] =	vst v63  }
0x101: {  	p1 =	sne.s32 s30, $0xC00;
	_ =	swait.ge [sflag:s14], $0x400  }
0x102: {  	[sflag:s14] =	ssyncset.done $0x0  }
0x103: {  	[sflag:s14] =	ssyncadd.s32 $0xFFFFFC00  }
0x104: {  	[spmem:s5] =	stream.indirect.scatter.add.f32 [tilespmem:s15], [sflag:$0x1], $0x80, s16, s17, $0xb8;
	[tilespmem:$0x17800] =	vst v63  }
0x105: {  	_ = 	snop  }
0x106: {  	[spmem:s5] =	stream.indirect.scatter.add.f32 [tilespmem:s15], [sflag:$0x1], $0x80, s18, s17, $0xb8;
	[tilespmem:$0x17800] =	vst v63  }
0x107: {  	_ = 	snop  }
0x108: {  	[spmem:s5] =	stream.indirect.scatter.add.f32 [tilespmem:s15], [sflag:$0x1], $0x80, s19, s17, $0xb8;
	[tilespmem:$0x17800] =	vst v63  }
0x109: {  	_ = 	snop  }
0x10a: {  	[spmem:s5] =	stream.indirect.scatter.add.f32 [tilespmem:s15], [sflag:$0x1], $0x80, s20, s17, $0xb8;
	[tilespmem:$0x17800] =	vst v63  }
0x10b: {  	_ = 	snop  }
0x10c: {  	[spmem:s5] =	stream.indirect.scatter.add.f32 [tilespmem:s15], [sflag:$0x1], $0x80, s21, s17, $0xb8;
	[tilespmem:$0x17800] =	vst v63  }
0x10d: {  	_ = 	snop  }
0x10e: {  	[spmem:s5] =	stream.indirect.scatter.add.f32 [tilespmem:s15], [sflag:$0x1], $0x80, s22, s17, $0xb8;
	[tilespmem:$0x17800] =	vst v63  }
0x10f: {  	_ = 	snop  }
0x110: {  	[spmem:s5] =	stream.indirect.scatter.add.f32 [tilespmem:s15], [sflag:$0x1], $0x80, s23, s17, $0xb8;
	[tilespmem:$0x17800] =	vst v63  }
0x111: {  	_ = 	snop  }
0x112: {  	[spmem:s5] =	stream.indirect.scatter.add.f32 [tilespmem:s15], [sflag:$0x1], $0x80, s24, s17, $0xb8;
	[tilespmem:$0x17800] =	vst v63  }
0x113: {  	_ =	swait.ge [sflag:s25], $0x3200  }
0x114: {  	[sflag:s25] =	ssyncset.done $0x0  }
0x115: {  	[sflag:s25] =	ssyncadd.s32 $0xFFFFCE00  }
0x116: {  	_ =	swait.ge [sflag:s25], $0x3200  }
0x117: {  	[sflag:s25] =	ssyncset.done $0x0  }
0x118: {  	[sflag:s25] =	ssyncadd.s32 $0xFFFFCE00  }
0x119: {  	_ =	swait.ge [sflag:s25], $0x3200  }
0x11a: {  	[sflag:s25] =	ssyncset.done $0x0  }
0x11b: {  	[sflag:s25] =	ssyncadd.s32 $0xFFFFCE00  }
0x11c: {  	_ =	swait.ge [sflag:s25], $0x3200  }
0x11d: {  	[sflag:s25] =	ssyncset.done $0x0  }
0x11e: {  	[sflag:s25] =	ssyncadd.s32 $0xFFFFCE00  }
0x11f: {  	_ =	swait.ge [sflag:s25], $0x3200  }
0x120: {  	[sflag:s25] =	ssyncset.done $0x0  }
0x121: {  	[sflag:s25] =	ssyncadd.s32 $0xFFFFCE00  }
0x122: {  	_ =	swait.ge [sflag:s25], $0x3200  }
0x123: {  	[sflag:s25] =	ssyncset.done $0x0  }
0x124: {  	[sflag:s25] =	ssyncadd.s32 $0xFFFFCE00  }
.Ltmp5:
0x125: {  	_ =	swait.ge [sflag:s25], $0x3200;
	(pc) =	sbr.rel @p1 .LBB2_6-.Ltmp5, $4  }
0x126: {  	[sflag:s25] =	ssyncset.done $0x0  }
0x127: {  	[sflag:s25] =	ssyncadd.s32 $0xFFFFCE00  }
0x128: {  	_ =	swait.ge [sflag:s25], $0x3200  }
0x129: {  	s30 =	smov.u32 s29;
	[sflag:s25] =	ssyncset.done $0x0  }
.Ltmp6:
0x12a: {  	_ = 	snop;
	(pc) =	sbr.rel .LBB2_7-.Ltmp6, $1  }
0x12b: {  	_ =	sdelay $0x3  }
.LBB2_9:
0x12c: {  	_ =	sfence.sel $0x180000  }
0x12d: {  	[bflag:$0x0] =	sbarrier.arrive $0xFFFF  }
0x12e: {  	p0 =	sne.s32 s3, $0x0;
	_ =	strace $0x90000047  }
0x12f: {  	s0 =	sadd.s32 @!p0 $0x100000, s0;
	[bflag:$0x2] =	sbarrier.arrive $0xFFFF  }
0x130: {  	[sflag:s0] =	ssyncadd.tile.s32 @!p0 $0x1;
	_ =	shalt  }
.Lfunc_end2:
_tile_overlayer_lowered:
.L_overlay_start_2:
0x131: {  	(tag) =	ssettag $0x2  }
0x132: {  	s0 =	rddreg [dreg:$0x0];
	s2 =	stileid.u32  }
0x133: {  	s1 =	rddreg [dreg:$0x1];
	p0 =	sne.s32 s2, $0x0  }
0x134: {  	s3 =	rddreg [dreg:$0x2];
	[bflag:$0x3] =	sbarrier.arrive $0xFFFF;
	s2 =	simm.s32 @!p0 $0x1C02  }
0x135: {  	[timem:s3], [sflag:s2] =	dma.local @!p0 [hbm:s0], s1  }
0x136: {  	s0 =	simm.s32 @!p0 $0x2  }
0x137: {  	_ =	swait.ge @!p0 [sflag:s0], s1  }
0x138: {  	s1 =	ssub.s32 @!p0 $0x0, s1;
	[sflag:s0] =	ssyncset.done @!p0 $0x0  }
0x139: {  	[sflag:s0] =	ssyncadd.s32 @!p0 s1  }
0x13a: {  	[bflag:$0x3] =	sbarrier.arrive $0xFFFF  }
0x13b: {  	_ =	shalt  }

</sc_bundles>
